<compile_context>
chip_gen: v7x
topology: tpu7x:2x2x1
jax: 0.10.2.dev20260603
libtpu: 0.0.44.dev20260713+nightly
codegen_flags: <defaults>
</compile_context>

<pallas_src>
import jax
import jax.numpy as jnp
from jax import lax
from jax.experimental import pallas as pl
from jax.experimental.pallas import tpu as pltpu
from jax.experimental.pallas import tpu_sc as plsc

N = 10000
D = 128
E = 320000

NC = 2
NS = 16
NT = NC * NS
EC = 128
CPT_DEG = 79
CHUNKS = NT * CPT_DEG
E_PAD = CHUNKS * EC
N_PAD = 10240
RPT = N_PAD // NS
DEGW = 128

_f32 = jnp.float32


def _deg_body(dst_hbm, out_hbm, dst_buf, rows_buf, acc_sh):
    c = lax.axis_index("c")
    s = lax.axis_index("s")
    w = c * NS + s

    def fillval(val):
        def frow(i, carry):
            def fcol(j, carry2):
                rows_buf[i, pl.ds(j * 16, 16)] = jnp.full((16,), val, _f32)
                return carry2
            return lax.fori_loop(0, DEGW // 16, fcol, carry)
        lax.fori_loop(0, EC, frow, 0)

    fillval(0.0)

    def zslab(i, carry):
        pltpu.sync_copy(rows_buf, acc_sh.at[pl.ds(s * RPT + i * EC, EC)])
        return carry

    lax.fori_loop(0, RPT // EC, zslab, 0)
    plsc.subcore_barrier()

    fillval(1.0)
    pltpu.sync_copy(dst_hbm.at[w], dst_buf)

    def chunk(j, carry):
        pltpu.sync_copy(rows_buf, acc_sh.at[dst_buf.at[j]], add=True)
        return carry

    lax.fori_loop(0, CPT_DEG, chunk, 0)
    plsc.subcore_barrier()

    def cpout(i, carry):
        pltpu.sync_copy(acc_sh.at[pl.ds(s * RPT + i * EC, EC)], rows_buf)
        pltpu.sync_copy(rows_buf, out_hbm.at[c, pl.ds(s * RPT + i * EC, EC)])
        return carry

    lax.fori_loop(0, RPT // EC, cpout, 0)


_deg_kernel = pl.kernel(
    _deg_body,
    out_type=jax.ShapeDtypeStruct((NC, N_PAD, DEGW), _f32),
    mesh=plsc.VectorSubcoreMesh(core_axis_name="c", subcore_axis_name="s"),
    scratch_types=[
        pltpu.VMEM((CPT_DEG, EC), jnp.int32),
        pltpu.VMEM((EC, DEGW), _f32),
        pltpu.VMEM_SHARED((N_PAD, DEGW), _f32),
    ],
)


def _agg_body(src_hbm, dst_hbm, h_hbm, out_hbm,
              src_buf, dst_buf, rows_buf, sem,
              acc_sh):
    c = lax.axis_index("c")
    s = lax.axis_index("s")
    w = c * NS + s

    def zrow(i, carry):
        def zcol(j, carry2):
            rows_buf[i, pl.ds(j * 16, 16)] = jnp.zeros((16,), _f32)
            return carry2
        return lax.fori_loop(0, D // 16, zcol, carry)

    lax.fori_loop(0, EC, zrow, 0)

    def zslab(i, carry):
        pltpu.sync_copy(rows_buf, acc_sh.at[pl.ds(s * RPT + i * EC, EC)])
        return carry

    lax.fori_loop(0, RPT // EC, zslab, 0)
    plsc.subcore_barrier()

    pltpu.sync_copy(src_hbm.at[w], src_buf)
    pltpu.sync_copy(dst_hbm.at[w], dst_buf)

    def chunk(j, carry):
        pltpu.async_copy(h_hbm.at[src_buf.at[j]], rows_buf, sem).wait()
        pltpu.sync_copy(rows_buf, acc_sh.at[dst_buf.at[j]], add=True)
        return carry

    lax.fori_loop(0, CPT_DEG, chunk, 0)
    plsc.subcore_barrier()

    def cpout(i, carry):
        pltpu.sync_copy(acc_sh.at[pl.ds(s * RPT + i * EC, EC)], rows_buf)
        pltpu.sync_copy(rows_buf, out_hbm.at[c, pl.ds(s * RPT + i * EC, EC)])
        return carry

    lax.fori_loop(0, RPT // EC, cpout, 0)


_agg_kernel = pl.kernel(
    _agg_body,
    out_type=jax.ShapeDtypeStruct((NC, N_PAD, D), _f32),
    mesh=plsc.VectorSubcoreMesh(core_axis_name="c", subcore_axis_name="s"),
    scratch_types=[
        pltpu.VMEM((CPT_DEG, EC), jnp.int32),
        pltpu.VMEM((CPT_DEG, EC), jnp.int32),
        pltpu.VMEM((EC, D), _f32),
        pltpu.SemaphoreType.DMA,
        pltpu.VMEM_SHARED((N_PAD, D), _f32),
    ],
)


BR = 640


def _dinv(da_ref, db_ref):
    deg = da_ref[:, 0:1] + db_ref[:, 0:1] + 1.0
    return lax.rsqrt(deg)


def _mm_scale_body(x_ref, w_ref, da_ref, db_ref, o_ref):
    h = jnp.dot(x_ref[...], w_ref[...], preferred_element_type=_f32)
    o_ref[...] = h * _dinv(da_ref, db_ref)


def _mid_body(aa_ref, ab_ref, hp_ref, da_ref, db_ref, b_ref, w_ref, o_ref):
    dinv = _dinv(da_ref, db_ref)
    pre = (aa_ref[...] + ab_ref[...] + hp_ref[...]) * dinv + b_ref[...]
    out1 = jnp.maximum(pre, 0.0)
    h2 = jnp.dot(out1, w_ref[...], preferred_element_type=_f32)
    o_ref[...] = h2 * dinv


def _fin_body(aa_ref, ab_ref, hp_ref, da_ref, db_ref, b_ref, o_ref):
    dinv = _dinv(da_ref, db_ref)
    o_ref[...] = (aa_ref[...] + ab_ref[...] + hp_ref[...]) * dinv + b_ref[...]


_row_spec = pl.BlockSpec((BR, D), lambda i: (i, 0))
_deg_spec = pl.BlockSpec((BR, DEGW), lambda i: (i, 0))
_w_spec = pl.BlockSpec((D, D), lambda i: (0, 0))
_b_spec = pl.BlockSpec((1, D), lambda i: (0, 0))
_out_struct = jax.ShapeDtypeStruct((N_PAD, D), _f32)
_grid = N_PAD // BR

_mm_scale = pl.pallas_call(
    _mm_scale_body,
    grid=_grid,
    in_specs=[_row_spec, _w_spec, _deg_spec, _deg_spec],
    out_specs=_row_spec,
    out_shape=_out_struct,
)

_mid = pl.pallas_call(
    _mid_body,
    grid=_grid,
    in_specs=[_row_spec, _row_spec, _row_spec, _deg_spec, _deg_spec,
              _b_spec, _w_spec],
    out_specs=_row_spec,
    out_shape=_out_struct,
)

_fin = pl.pallas_call(
    _fin_body,
    grid=_grid,
    in_specs=[_row_spec, _row_spec, _row_spec, _deg_spec, _deg_spec, _b_spec],
    out_specs=_row_spec,
    out_shape=_out_struct,
)


@jax.jit
def kernel(x, edge_index, W1, b1, W2, b2):
    ei = edge_index.astype(jnp.int32)
    pad = jnp.full((E_PAD - E,), N, jnp.int32)
    src_t = jnp.concatenate([ei[0], pad]).reshape(NT, CPT_DEG, EC)
    dst_t = jnp.concatenate([ei[1], pad]).reshape(NT, CPT_DEG, EC)
    dst_t32 = dst_t
    x_pad = jnp.concatenate([x, jnp.zeros((N_PAD - N, D), _f32)])

    deg2 = _deg_kernel(dst_t32)
    dega, degb = deg2[0], deg2[1]

    h1p = _mm_scale(x_pad, W1, dega, degb)
    acc1 = _agg_kernel(src_t, dst_t, h1p)
    h2p = _mid(acc1[0], acc1[1], h1p, dega, degb, b1.reshape(1, D), W2)
    acc2 = _agg_kernel(src_t, dst_t, h2p)
    out = _fin(acc2[0], acc2[1], h2p, dega, degb, b2.reshape(1, D))
    return out[:N]

# --- scband reference (transcript-rebuilt; emitter-appended) ---
"""Pipeline reference for scband-gcn-59846074302535 (READ-ONLY COPY).

The authoritative reference and input builder live on the scoring server;
editing this copy changes nothing except your own understanding.
"""

import jax, jax.numpy as jnp
import numpy as np

N_NODES = 10000
N_EDGES = 320000
D = 128


def gcn_conv(x, edge_index, W, b, num_nodes):
    # PyG GCNConv: symmetric normalization with self-loops, then linear + aggregate
    src = edge_index[0]
    dst = edge_index[1]
    loop = jnp.arange(num_nodes, dtype=edge_index.dtype)
    src = jnp.concatenate([src, loop])
    dst = jnp.concatenate([dst, loop])
    ew = jnp.ones(src.shape[0], dtype=x.dtype)
    deg = jnp.zeros(num_nodes, dtype=x.dtype).at[dst].add(ew)
    deg_inv_sqrt = jnp.where(deg > 0, deg ** -0.5, 0.0)
    norm = deg_inv_sqrt[src] * ew * deg_inv_sqrt[dst]
    h = x @ W
    msg = h[src] * norm[:, None]
    out = jnp.zeros((num_nodes, W.shape[1]), dtype=x.dtype).at[dst].add(msg)
    return out + b


def setup_inputs(seed: int = 0) -> dict:
    key = jax.random.key(seed)
    k1, k2, k3, k4, k5, k6 = jax.random.split(key, 6)
    x = jax.random.normal(k1, (N_NODES, D), dtype=jnp.float32)
    edge_index = jax.random.randint(k2, (2, N_EDGES), 0, N_NODES, dtype=jnp.int64)
    s = 1.0 / np.sqrt(D)
    W1 = jax.random.uniform(k3, (D, D), dtype=jnp.float32, minval=-s, maxval=s)
    b1 = jax.random.uniform(k4, (D,), dtype=jnp.float32, minval=-s, maxval=s)
    W2 = jax.random.uniform(k5, (D, D), dtype=jnp.float32, minval=-s, maxval=s)
    b2 = jax.random.uniform(k6, (D,), dtype=jnp.float32, minval=-s, maxval=s)
    return {"x": x, "edge_index": edge_index, "W1": W1, "b1": b1, "W2": W2, "b2": b2}


def reference(x, edge_index, W1, b1, W2, b2):
    # GCN.forward with nlayer=2 (no middle convs); dropout=0.0 / eval mode -> no-op
    h = jax.nn.relu(gcn_conv(x, edge_index, W1, b1, N_NODES))
    out = gcn_conv(h, edge_index, W2, b2, N_NODES)
    return out

if __name__ == "__main__":
    import jax
    _d = setup_inputs()
    print(jax.jit(kernel)(*tuple(_d.values())))

</pallas_src>

<mosaic_0001>
#map = affine_map<(d0, d1) -> (0, 0, 0)>
#map1 = affine_map<(d0, d1) -> (0, 0)>
module attributes {stable_mosaic.version = 14 : i64} {
  func.func @_agg_body(%arg0: i32, %arg1: i32, %arg2: memref<32x79x128xi32, #tpu.memory_space<hbm>>, %arg3: memref<32x79x128xi32, #tpu.memory_space<hbm>>, %arg4: memref<10240x128xf32, #tpu.memory_space<hbm>>, %arg5: memref<2x10240x128xf32, #tpu.memory_space<hbm>>, %arg6: memref<79x128xi32, #tpu.memory_space<vmem>>, %arg7: memref<79x128xi32, #tpu.memory_space<vmem>>, %arg8: memref<128x128xf32, #tpu.memory_space<vmem>>, %arg9: memref<!tpu.dma_semaphore, #tpu.memory_space<semaphore_mem>>, %arg10: memref<10240x128xf32, #tpu.memory_space<vmem_shared>>) attributes {dimension_semantics = [#tpu.dimension_semantics<core_parallel>, #tpu.dimension_semantics<subcore_parallel>], iteration_bounds = array<i64: 2, 16>, scalar_prefetch = 0 : i64, scratch_operands = 5 : i64, tpu.core_type = #tpu.core_type<sc_vector_subcore>, window_params = [{transform_indices = #map}, {transform_indices = #map}, {transform_indices = #map1}, {transform_indices = #map}]} {
    %mul3A = arith.constant 16 : i32
    %mul3A_0 = arith.muli %arg0, %mul3A : i32
    %add3A = arith.addi %mul3A_0, %arg1 : i32
    %scan3A = arith.constant 0 : i32
    %scan3A_1 = arith.constant 0 : i32
    %scan3A_2 = arith.constant 128 : i32
    %scan3A_3 = arith.addi %scan3A_1, %scan3A_2 : i32
    %scan3A_4 = arith.constant 1 : i32
    scf.for %scan3A_25 = %scan3A_1 to %scan3A_3 step %scan3A_4  : i32 {
      %scan3A_26 = arith.constant 0 : i32
      %scan3A_27 = arith.constant 8 : i32
      %scan3A_28 = arith.addi %scan3A_26, %scan3A_27 : i32
      %scan3A_29 = arith.constant 1 : i32
      scf.for %scan3A_31 = %scan3A_26 to %scan3A_28 step %scan3A_29  : i32 {
        %broadcast_in_dim3A = arith.constant 0.000000e+00 : f32
        %broadcast_in_dim3A_32 = vector.broadcast %broadcast_in_dim3A : f32 to vector<16xf32>
        %mul3A_33 = arith.constant 16 : i32
        %mul3A_34 = arith.muli %scan3A_31, %mul3A_33 : i32
        %swap3A = arith.index_cast %scan3A_25 : i32 to index
        %swap3A_35 = arith.index_cast %mul3A_34 : i32 to index
        %swap3A_36 = tpu.vector_load %arg8[%swap3A, %swap3A_35] {strides = array<i32>} : memref<128x128xf32, #tpu.memory_space<vmem>>, vector<1x16xf32>,
        %swap3A_37 = vector.shape_cast %swap3A_36 : vector<1x16xf32> to vector<16xf32>
        %swap3A_38 = vector.shape_cast %broadcast_in_dim3A_32 : vector<16xf32> to vector<1x16xf32>
        tpu.vector_store %arg8[%swap3A, %swap3A_35], %swap3A_38 {strides = array<i32>} : memref<128x128xf32, #tpu.memory_space<vmem>>, vector<1x16xf32>,
      }
      %scan3A_30 = arith.constant 8 : i32
    }
    %scan3A_5 = arith.constant 128 : i32
    %scan3A_6 = arith.constant 0 : i32
    %scan3A_7 = arith.constant 0 : i32
    %scan3A_8 = arith.constant 5 : i32
    %scan3A_9 = arith.addi %scan3A_7, %scan3A_8 : i32
    %scan3A_10 = arith.constant 1 : i32
    scf.for %scan3A_25 = %scan3A_7 to %scan3A_9 step %scan3A_10  : i32 {
      %mul3A_26 = arith.constant 640 : i32
      %mul3A_27 = arith.muli %arg1, %mul3A_26 : i32
      %mul3A_28 = arith.constant 128 : i32
      %mul3A_29 = arith.muli %scan3A_25, %mul3A_28 : i32
      %add3A_30 = arith.addi %mul3A_27, %mul3A_29 : i32
      "tpu.region"() ({
        %run_scoped3A = tpu.sem_alloc : memref<!tpu.dma_semaphore, #tpu.memory_space<semaphore_mem>>
        %dma_start3A = arith.constant 0 : i32
        %dma_start3A_31 = tpu.memref_slice %arg10[%add3A_30, %dma_start3A] : memref<10240x128xf32, #tpu.memory_space<vmem_shared>> -> memref<128x128xf32, #tpu.memory_space<vmem_shared>>
        %dma_start3A_32 = arith.constant 0 : i32
        %dma_start3A_33 = tpu.memref_slice %arg10[%add3A_30, %dma_start3A_32] : memref<10240x128xf32, #tpu.memory_space<vmem_shared>> -> memref<128x128xf32, #tpu.memory_space<vmem_shared>>
        tpu.enqueue_dma source(%arg8 : memref<128x128xf32, #tpu.memory_space<vmem>>) target(%dma_start3A_33 : memref<128x128xf32, #tpu.memory_space<vmem_shared>>) target_semaphore(%run_scoped3A : memref<!tpu.dma_semaphore, #tpu.memory_space<semaphore_mem>>)
        %dma_wait3A = arith.constant 0 : i32
        %dma_wait3A_34 = tpu.memref_slice %arg10[%add3A_30, %dma_wait3A] : memref<10240x128xf32, #tpu.memory_space<vmem_shared>> -> memref<128x128xf32, #tpu.memory_space<vmem_shared>>
        %dma_wait3A_35 = arith.constant 0 : i32
        %dma_wait3A_36 = tpu.memref_slice %arg10[%add3A_30, %dma_wait3A_35] : memref<10240x128xf32, #tpu.memory_space<vmem_shared>> -> memref<128x128xf32, #tpu.memory_space<vmem_shared>>
        tpu.wait_dma2 semaphore(%run_scoped3A : memref<!tpu.dma_semaphore, #tpu.memory_space<semaphore_mem>>) src(%arg8 : memref<128x128xf32, #tpu.memory_space<vmem>>) dst(%dma_wait3A_36 : memref<128x128xf32, #tpu.memory_space<vmem_shared>>)
        tpu.yield
      }) : () -> ()
    }
    %scan3A_11 = arith.constant 5 : i32
    %barrier3A = arith.constant 0 : index
    tpu.barrier barrier_id(%barrier3A)
    "tpu.region"() ({
      %run_scoped3A = tpu.sem_alloc : memref<!tpu.dma_semaphore, #tpu.memory_space<semaphore_mem>>
      %dma_start3A = arith.constant 0 : i32
      %dma_start3A_25 = arith.constant 0 : i32
      %dma_start3A_26 = tpu.memref_slice %arg2[%add3A, %dma_start3A, %dma_start3A_25] : memref<32x79x128xi32, #tpu.memory_space<hbm>> -> memref<1x79x128xi32, #tpu.memory_space<hbm>>
      %dma_start3A_27 = tpu.memref_squeeze %dma_start3A_26 : memref<1x79x128xi32, #tpu.memory_space<hbm>> -> memref<79x128xi32, #tpu.memory_space<hbm>>
      %dma_start3A_28 = arith.constant 0 : i32
      %dma_start3A_29 = arith.constant 0 : i32
      %dma_start3A_30 = tpu.memref_slice %arg2[%add3A, %dma_start3A_28, %dma_start3A_29] : memref<32x79x128xi32, #tpu.memory_space<hbm>> -> memref<1x79x128xi32, #tpu.memory_space<hbm>>
      %dma_start3A_31 = tpu.memref_squeeze %dma_start3A_30 : memref<1x79x128xi32, #tpu.memory_space<hbm>> -> memref<79x128xi32, #tpu.memory_space<hbm>>
      tpu.enqueue_dma source(%dma_start3A_31 : memref<79x128xi32, #tpu.memory_space<hbm>>) target(%arg6 : memref<79x128xi32, #tpu.memory_space<vmem>>) target_semaphore(%run_scoped3A : memref<!tpu.dma_semaphore, #tpu.memory_space<semaphore_mem>>)
      %dma_wait3A = arith.constant 0 : i32
      %dma_wait3A_32 = arith.constant 0 : i32
      %dma_wait3A_33 = tpu.memref_slice %arg2[%add3A, %dma_wait3A, %dma_wait3A_32] : memref<32x79x128xi32, #tpu.memory_space<hbm>> -> memref<1x79x128xi32, #tpu.memory_space<hbm>>
      %dma_wait3A_34 = tpu.memref_squeeze %dma_wait3A_33 : memref<1x79x128xi32, #tpu.memory_space<hbm>> -> memref<79x128xi32, #tpu.memory_space<hbm>>
      %dma_wait3A_35 = arith.constant 0 : i32
      %dma_wait3A_36 = arith.constant 0 : i32
      %dma_wait3A_37 = tpu.memref_slice %arg2[%add3A, %dma_wait3A_35, %dma_wait3A_36] : memref<32x79x128xi32, #tpu.memory_space<hbm>> -> memref<1x79x128xi32, #tpu.memory_space<hbm>>
      %dma_wait3A_38 = tpu.memref_squeeze %dma_wait3A_37 : memref<1x79x128xi32, #tpu.memory_space<hbm>> -> memref<79x128xi32, #tpu.memory_space<hbm>>
      tpu.wait_dma2 semaphore(%run_scoped3A : memref<!tpu.dma_semaphore, #tpu.memory_space<semaphore_mem>>) src(%dma_wait3A_38 : memref<79x128xi32, #tpu.memory_space<hbm>>) dst(%arg6 : memref<79x128xi32, #tpu.memory_space<vmem>>)
      tpu.yield
    }) : () -> ()
    "tpu.region"() ({
      %run_scoped3A = tpu.sem_alloc : memref<!tpu.dma_semaphore, #tpu.memory_space<semaphore_mem>>
      %dma_start3A = arith.constant 0 : i32
      %dma_start3A_25 = arith.constant 0 : i32
      %dma_start3A_26 = tpu.memref_slice %arg3[%add3A, %dma_start3A, %dma_start3A_25] : memref<32x79x128xi32, #tpu.memory_space<hbm>> -> memref<1x79x128xi32, #tpu.memory_space<hbm>>
      %dma_start3A_27 = tpu.memref_squeeze %dma_start3A_26 : memref<1x79x128xi32, #tpu.memory_space<hbm>> -> memref<79x128xi32, #tpu.memory_space<hbm>>
      %dma_start3A_28 = arith.constant 0 : i32
      %dma_start3A_29 = arith.constant 0 : i32
      %dma_start3A_30 = tpu.memref_slice %arg3[%add3A, %dma_start3A_28, %dma_start3A_29] : memref<32x79x128xi32, #tpu.memory_space<hbm>> -> memref<1x79x128xi32, #tpu.memory_space<hbm>>
      %dma_start3A_31 = tpu.memref_squeeze %dma_start3A_30 : memref<1x79x128xi32, #tpu.memory_space<hbm>> -> memref<79x128xi32, #tpu.memory_space<hbm>>
      tpu.enqueue_dma source(%dma_start3A_31 : memref<79x128xi32, #tpu.memory_space<hbm>>) target(%arg7 : memref<79x128xi32, #tpu.memory_space<vmem>>) target_semaphore(%run_scoped3A : memref<!tpu.dma_semaphore, #tpu.memory_space<semaphore_mem>>)
      %dma_wait3A = arith.constant 0 : i32
      %dma_wait3A_32 = arith.constant 0 : i32
      %dma_wait3A_33 = tpu.memref_slice %arg3[%add3A, %dma_wait3A, %dma_wait3A_32] : memref<32x79x128xi32, #tpu.memory_space<hbm>> -> memref<1x79x128xi32, #tpu.memory_space<hbm>>
      %dma_wait3A_34 = tpu.memref_squeeze %dma_wait3A_33 : memref<1x79x128xi32, #tpu.memory_space<hbm>> -> memref<79x128xi32, #tpu.memory_space<hbm>>
      %dma_wait3A_35 = arith.constant 0 : i32
      %dma_wait3A_36 = arith.constant 0 : i32
      %dma_wait3A_37 = tpu.memref_slice %arg3[%add3A, %dma_wait3A_35, %dma_wait3A_36] : memref<32x79x128xi32, #tpu.memory_space<hbm>> -> memref<1x79x128xi32, #tpu.memory_space<hbm>>
      %dma_wait3A_38 = tpu.memref_squeeze %dma_wait3A_37 : memref<1x79x128xi32, #tpu.memory_space<hbm>> -> memref<79x128xi32, #tpu.memory_space<hbm>>
      tpu.wait_dma2 semaphore(%run_scoped3A : memref<!tpu.dma_semaphore, #tpu.memory_space<semaphore_mem>>) src(%dma_wait3A_38 : memref<79x128xi32, #tpu.memory_space<hbm>>) dst(%arg7 : memref<79x128xi32, #tpu.memory_space<vmem>>)
      tpu.yield
    }) : () -> ()
    %scan3A_12 = arith.constant 0 : i32
    %scan3A_13 = arith.constant 0 : i32
    %scan3A_14 = arith.constant 79 : i32
    %scan3A_15 = arith.addi %scan3A_13, %scan3A_14 : i32
    %scan3A_16 = arith.constant 1 : i32
    scf.for %scan3A_25 = %scan3A_13 to %scan3A_15 step %scan3A_16  : i32 {
      %dma_start3A = arith.constant 0 : i32
      %dma_start3A_26 = tpu.memref_slice %arg6[%scan3A_25, %dma_start3A] : memref<79x128xi32, #tpu.memory_space<vmem>> -> memref<1x128xi32, #tpu.memory_space<vmem>>
      %dma_start3A_27 = tpu.memref_squeeze %dma_start3A_26 : memref<1x128xi32, #tpu.memory_space<vmem>> -> memref<128xi32, #tpu.memory_space<vmem>>
      %dma_start3A_28 = arith.constant 0 : i32
      %dma_start3A_29 = arith.constant 0 : i32
      %dma_start3A_30 = tpu.memref_slice %arg4[%dma_start3A_28, %dma_start3A_29] : memref<10240x128xf32, #tpu.memory_space<hbm>> -> memref<10240x128xf32, #tpu.memory_space<hbm>>
      tpu.enqueue_indirect_dma source(%dma_start3A_30 : memref<10240x128xf32, #tpu.memory_space<hbm>>) target(%arg8 : memref<128x128xf32, #tpu.memory_space<vmem>>) offsets(%dma_start3A_27 : memref<128xi32, #tpu.memory_space<vmem>>) semaphore(%arg9 : memref<!tpu.dma_semaphore, #tpu.memory_space<semaphore_mem>>)
      %dma_wait3A = arith.constant 0 : i32
      %dma_wait3A_31 = tpu.memref_slice %arg6[%scan3A_25, %dma_wait3A] : memref<79x128xi32, #tpu.memory_space<vmem>> -> memref<1x128xi32, #tpu.memory_space<vmem>>
      %dma_wait3A_32 = tpu.memref_squeeze %dma_wait3A_31 : memref<1x128xi32, #tpu.memory_space<vmem>> -> memref<128xi32, #tpu.memory_space<vmem>>
      %dma_wait3A_33 = arith.constant 0 : i32
      %dma_wait3A_34 = arith.constant 0 : i32
      %dma_wait3A_35 = tpu.memref_slice %arg4[%dma_wait3A_33, %dma_wait3A_34] : memref<10240x128xf32, #tpu.memory_space<hbm>> -> memref<10240x128xf32, #tpu.memory_space<hbm>>
      tpu.wait_indirect_dma semaphore(%arg9 : memref<!tpu.dma_semaphore, #tpu.memory_space<semaphore_mem>>) src(%dma_wait3A_35 : memref<10240x128xf32, #tpu.memory_space<hbm>>) dst(%arg8 : memref<128x128xf32, #tpu.memory_space<vmem>>)
      "tpu.region"() ({
        %run_scoped3A = tpu.sem_alloc : memref<!tpu.dma_semaphore, #tpu.memory_space<semaphore_mem>>
        %dma_start3A_36 = arith.constant 0 : i32
        %dma_start3A_37 = tpu.memref_slice %arg7[%scan3A_25, %dma_start3A_36] : memref<79x128xi32, #tpu.memory_space<vmem>> -> memref<1x128xi32, #tpu.memory_space<vmem>>
        %dma_start3A_38 = tpu.memref_squeeze %dma_start3A_37 : memref<1x128xi32, #tpu.memory_space<vmem>> -> memref<128xi32, #tpu.memory_space<vmem>>
        %dma_start3A_39 = arith.constant 0 : i32
        %dma_start3A_40 = arith.constant 0 : i32
        %dma_start3A_41 = tpu.memref_slice %arg10[%dma_start3A_39, %dma_start3A_40] : memref<10240x128xf32, #tpu.memory_space<vmem_shared>> -> memref<10240x128xf32, #tpu.memory_space<vmem_shared>>
        tpu.enqueue_indirect_dma source(%arg8 : memref<128x128xf32, #tpu.memory_space<vmem>>) target(%dma_start3A_41 : memref<10240x128xf32, #tpu.memory_space<vmem_shared>>) offsets(%dma_start3A_38 : memref<128xi32, #tpu.memory_space<vmem>>) semaphore(%run_scoped3A : memref<!tpu.dma_semaphore, #tpu.memory_space<semaphore_mem>>) {add = true}
        %dma_wait3A_42 = arith.constant 0 : i32
        %dma_wait3A_43 = tpu.memref_slice %arg7[%scan3A_25, %dma_wait3A_42] : memref<79x128xi32, #tpu.memory_space<vmem>> -> memref<1x128xi32, #tpu.memory_space<vmem>>
        %dma_wait3A_44 = tpu.memref_squeeze %dma_wait3A_43 : memref<1x128xi32, #tpu.memory_space<vmem>> -> memref<128xi32, #tpu.memory_space<vmem>>
        %dma_wait3A_45 = arith.constant 0 : i32
        %dma_wait3A_46 = arith.constant 0 : i32
        %dma_wait3A_47 = tpu.memref_slice %arg10[%dma_wait3A_45, %dma_wait3A_46] : memref<10240x128xf32, #tpu.memory_space<vmem_shared>> -> memref<10240x128xf32, #tpu.memory_space<vmem_shared>>
        tpu.wait_indirect_dma semaphore(%run_scoped3A : memref<!tpu.dma_semaphore, #tpu.memory_space<semaphore_mem>>) src(%arg8 : memref<128x128xf32, #tpu.memory_space<vmem>>) dst(%dma_wait3A_47 : memref<10240x128xf32, #tpu.memory_space<vmem_shared>>)
        tpu.yield
      }) : () -> ()
    }
    %scan3A_17 = arith.constant 79 : i32
    %barrier3A_18 = arith.constant 0 : index
    tpu.barrier barrier_id(%barrier3A_18)
    %scan3A_19 = arith.constant 0 : i32
    %scan3A_20 = arith.constant 0 : i32
    %scan3A_21 = arith.constant 5 : i32
    %scan3A_22 = arith.addi %scan3A_20, %scan3A_21 : i32
    %scan3A_23 = arith.constant 1 : i32
    scf.for %scan3A_25 = %scan3A_20 to %scan3A_22 step %scan3A_23  : i32 {
      %mul3A_26 = arith.constant 640 : i32
      %mul3A_27 = arith.muli %arg1, %mul3A_26 : i32
      %mul3A_28 = arith.constant 128 : i32
      %mul3A_29 = arith.muli %scan3A_25, %mul3A_28 : i32
      %add3A_30 = arith.addi %mul3A_27, %mul3A_29 : i32
      "tpu.region"() ({
        %run_scoped3A = tpu.sem_alloc : memref<!tpu.dma_semaphore, #tpu.memory_space<semaphore_mem>>
        %dma_start3A = arith.constant 0 : i32
        %dma_start3A_36 = tpu.memref_slice %arg10[%add3A_30, %dma_start3A] : memref<10240x128xf32, #tpu.memory_space<vmem_shared>> -> memref<128x128xf32, #tpu.memory_space<vmem_shared>>
        %dma_start3A_37 = arith.constant 0 : i32
        %dma_start3A_38 = tpu.memref_slice %arg10[%add3A_30, %dma_start3A_37] : memref<10240x128xf32, #tpu.memory_space<vmem_shared>> -> memref<128x128xf32, #tpu.memory_space<vmem_shared>>
        tpu.enqueue_dma source(%dma_start3A_38 : memref<128x128xf32, #tpu.memory_space<vmem_shared>>) target(%arg8 : memref<128x128xf32, #tpu.memory_space<vmem>>) target_semaphore(%run_scoped3A : memref<!tpu.dma_semaphore, #tpu.memory_space<semaphore_mem>>)
        %dma_wait3A = arith.constant 0 : i32
        %dma_wait3A_39 = tpu.memref_slice %arg10[%add3A_30, %dma_wait3A] : memref<10240x128xf32, #tpu.memory_space<vmem_shared>> -> memref<128x128xf32, #tpu.memory_space<vmem_shared>>
        %dma_wait3A_40 = arith.constant 0 : i32
        %dma_wait3A_41 = tpu.memref_slice %arg10[%add3A_30, %dma_wait3A_40] : memref<10240x128xf32, #tpu.memory_space<vmem_shared>> -> memref<128x128xf32, #tpu.memory_space<vmem_shared>>
        tpu.wait_dma2 semaphore(%run_scoped3A : memref<!tpu.dma_semaphore, #tpu.memory_space<semaphore_mem>>) src(%dma_wait3A_41 : memref<128x128xf32, #tpu.memory_space<vmem_shared>>) dst(%arg8 : memref<128x128xf32, #tpu.memory_space<vmem>>)
        tpu.yield
      }) : () -> ()
      %mul3A_31 = arith.constant 640 : i32
      %mul3A_32 = arith.muli %arg1, %mul3A_31 : i32
      %mul3A_33 = arith.constant 128 : i32
      %mul3A_34 = arith.muli %scan3A_25, %mul3A_33 : i32
      %add3A_35 = arith.addi %mul3A_32, %mul3A_34 : i32
      "tpu.region"() ({
        %run_scoped3A = tpu.sem_alloc : memref<!tpu.dma_semaphore, #tpu.memory_space<semaphore_mem>>
        %dma_start3A = arith.constant 0 : i32
        %dma_start3A_36 = tpu.memref_slice %arg5[%arg0, %add3A_35, %dma_start3A] : memref<2x10240x128xf32, #tpu.memory_space<hbm>> -> memref<1x128x128xf32, #tpu.memory_space<hbm>>
        %dma_start3A_37 = tpu.memref_squeeze %dma_start3A_36 : memref<1x128x128xf32, #tpu.memory_space<hbm>> -> memref<128x128xf32, #tpu.memory_space<hbm>>
        %dma_start3A_38 = arith.constant 0 : i32
        %dma_start3A_39 = tpu.memref_slice %arg5[%arg0, %add3A_35, %dma_start3A_38] : memref<2x10240x128xf32, #tpu.memory_space<hbm>> -> memref<1x128x128xf32, #tpu.memory_space<hbm>>
        %dma_start3A_40 = tpu.memref_squeeze %dma_start3A_39 : memref<1x128x128xf32, #tpu.memory_space<hbm>> -> memref<128x128xf32, #tpu.memory_space<hbm>>
        tpu.enqueue_dma source(%arg8 : memref<128x128xf32, #tpu.memory_space<vmem>>) target(%dma_start3A_40 : memref<128x128xf32, #tpu.memory_space<hbm>>) target_semaphore(%run_scoped3A : memref<!tpu.dma_semaphore, #tpu.memory_space<semaphore_mem>>)
        %dma_wait3A = arith.constant 0 : i32
        %dma_wait3A_41 = tpu.memref_slice %arg5[%arg0, %add3A_35, %dma_wait3A] : memref<2x10240x128xf32, #tpu.memory_space<hbm>> -> memref<1x128x128xf32, #tpu.memory_space<hbm>>
        %dma_wait3A_42 = tpu.memref_squeeze %dma_wait3A_41 : memref<1x128x128xf32, #tpu.memory_space<hbm>> -> memref<128x128xf32, #tpu.memory_space<hbm>>
        %dma_wait3A_43 = arith.constant 0 : i32
        %dma_wait3A_44 = tpu.memref_slice %arg5[%arg0, %add3A_35, %dma_wait3A_43] : memref<2x10240x128xf32, #tpu.memory_space<hbm>> -> memref<1x128x128xf32, #tpu.memory_space<hbm>>
        %dma_wait3A_45 = tpu.memref_squeeze %dma_wait3A_44 : memref<1x128x128xf32, #tpu.memory_space<hbm>> -> memref<128x128xf32, #tpu.memory_space<hbm>>
        tpu.wait_dma2 semaphore(%run_scoped3A : memref<!tpu.dma_semaphore, #tpu.memory_space<semaphore_mem>>) src(%arg8 : memref<128x128xf32, #tpu.memory_space<vmem>>) dst(%dma_wait3A_45 : memref<128x128xf32, #tpu.memory_space<hbm>>)
        tpu.yield
      }) : () -> ()
    }
    %scan3A_24 = arith.constant 5 : i32
    return
  }
}

#map = affine_map<(d0, d1) -> (0, 0, 0)>
module attributes {stable_mosaic.version = 14 : i64} {
  func.func @_deg_body(%arg0: i32, %arg1: i32, %arg2: memref<32x79x128xi32, #tpu.memory_space<hbm>>, %arg3: memref<2x10240x128xf32, #tpu.memory_space<hbm>>, %arg4: memref<79x128xi32, #tpu.memory_space<vmem>>, %arg5: memref<128x128xf32, #tpu.memory_space<vmem>>, %arg6: memref<10240x128xf32, #tpu.memory_space<vmem_shared>>) attributes {dimension_semantics = [#tpu.dimension_semantics<core_parallel>, #tpu.dimension_semantics<subcore_parallel>], iteration_bounds = array<i64: 2, 16>, scalar_prefetch = 0 : i64, scratch_operands = 3 : i64, tpu.core_type = #tpu.core_type<sc_vector_subcore>, window_params = [{transform_indices = #map}, {transform_indices = #map}]} {
    %mul3A = arith.constant 16 : i32
    %mul3A_0 = arith.muli %arg0, %mul3A : i32
    %add3A = arith.addi %mul3A_0, %arg1 : i32
    %scan3A = arith.constant 0 : i32
    %scan3A_1 = arith.constant 0 : i32
    %scan3A_2 = arith.constant 128 : i32
    %scan3A_3 = arith.addi %scan3A_1, %scan3A_2 : i32
    %scan3A_4 = arith.constant 1 : i32
    scf.for %scan3A_31 = %scan3A_1 to %scan3A_3 step %scan3A_4  : i32 {
      %scan3A_32 = arith.constant 0 : i32
      %scan3A_33 = arith.constant 8 : i32
      %scan3A_34 = arith.addi %scan3A_32, %scan3A_33 : i32
      %scan3A_35 = arith.constant 1 : i32
      scf.for %scan3A_37 = %scan3A_32 to %scan3A_34 step %scan3A_35  : i32 {
        %broadcast_in_dim3A = arith.constant 0.000000e+00 : f32
        %broadcast_in_dim3A_38 = vector.broadcast %broadcast_in_dim3A : f32 to vector<16xf32>
        %mul3A_39 = arith.constant 16 : i32
        %mul3A_40 = arith.muli %scan3A_37, %mul3A_39 : i32
        %swap3A = arith.index_cast %scan3A_31 : i32 to index
        %swap3A_41 = arith.index_cast %mul3A_40 : i32 to index
        %swap3A_42 = tpu.vector_load %arg5[%swap3A, %swap3A_41] {strides = array<i32>} : memref<128x128xf32, #tpu.memory_space<vmem>>, vector<1x16xf32>,
        %swap3A_43 = vector.shape_cast %swap3A_42 : vector<1x16xf32> to vector<16xf32>
        %swap3A_44 = vector.shape_cast %broadcast_in_dim3A_38 : vector<16xf32> to vector<1x16xf32>
        tpu.vector_store %arg5[%swap3A, %swap3A_41], %swap3A_44 {strides = array<i32>} : memref<128x128xf32, #tpu.memory_space<vmem>>, vector<1x16xf32>,
      }
      %scan3A_36 = arith.constant 8 : i32
    }
    %scan3A_5 = arith.constant 128 : i32
    %scan3A_6 = arith.constant 0 : i32
    %scan3A_7 = arith.constant 0 : i32
    %scan3A_8 = arith.constant 5 : i32
    %scan3A_9 = arith.addi %scan3A_7, %scan3A_8 : i32
    %scan3A_10 = arith.constant 1 : i32
    scf.for %scan3A_31 = %scan3A_7 to %scan3A_9 step %scan3A_10  : i32 {
      %mul3A_32 = arith.constant 640 : i32
      %mul3A_33 = arith.muli %arg1, %mul3A_32 : i32
      %mul3A_34 = arith.constant 128 : i32
      %mul3A_35 = arith.muli %scan3A_31, %mul3A_34 : i32
      %add3A_36 = arith.addi %mul3A_33, %mul3A_35 : i32
      "tpu.region"() ({
        %run_scoped3A = tpu.sem_alloc : memref<!tpu.dma_semaphore, #tpu.memory_space<semaphore_mem>>
        %dma_start3A = arith.constant 0 : i32
        %dma_start3A_37 = tpu.memref_slice %arg6[%add3A_36, %dma_start3A] : memref<10240x128xf32, #tpu.memory_space<vmem_shared>> -> memref<128x128xf32, #tpu.memory_space<vmem_shared>>
        %dma_start3A_38 = arith.constant 0 : i32
        %dma_start3A_39 = tpu.memref_slice %arg6[%add3A_36, %dma_start3A_38] : memref<10240x128xf32, #tpu.memory_space<vmem_shared>> -> memref<128x128xf32, #tpu.memory_space<vmem_shared>>
        tpu.enqueue_dma source(%arg5 : memref<128x128xf32, #tpu.memory_space<vmem>>) target(%dma_start3A_39 : memref<128x128xf32, #tpu.memory_space<vmem_shared>>) target_semaphore(%run_scoped3A : memref<!tpu.dma_semaphore, #tpu.memory_space<semaphore_mem>>)
        %dma_wait3A = arith.constant 0 : i32
        %dma_wait3A_40 = tpu.memref_slice %arg6[%add3A_36, %dma_wait3A] : memref<10240x128xf32, #tpu.memory_space<vmem_shared>> -> memref<128x128xf32, #tpu.memory_space<vmem_shared>>
        %dma_wait3A_41 = arith.constant 0 : i32
        %dma_wait3A_42 = tpu.memref_slice %arg6[%add3A_36, %dma_wait3A_41] : memref<10240x128xf32, #tpu.memory_space<vmem_shared>> -> memref<128x128xf32, #tpu.memory_space<vmem_shared>>
        tpu.wait_dma2 semaphore(%run_scoped3A : memref<!tpu.dma_semaphore, #tpu.memory_space<semaphore_mem>>) src(%arg5 : memref<128x128xf32, #tpu.memory_space<vmem>>) dst(%dma_wait3A_42 : memref<128x128xf32, #tpu.memory_space<vmem_shared>>)
        tpu.yield
      }) : () -> ()
    }
    %scan3A_11 = arith.constant 5 : i32
    %barrier3A = arith.constant 0 : index
    tpu.barrier barrier_id(%barrier3A)
    %scan3A_12 = arith.constant 0 : i32
    %scan3A_13 = arith.constant 0 : i32
    %scan3A_14 = arith.constant 128 : i32
    %scan3A_15 = arith.addi %scan3A_13, %scan3A_14 : i32
    %scan3A_16 = arith.constant 1 : i32
    scf.for %scan3A_31 = %scan3A_13 to %scan3A_15 step %scan3A_16  : i32 {
      %scan3A_32 = arith.constant 0 : i32
      %scan3A_33 = arith.constant 8 : i32
      %scan3A_34 = arith.addi %scan3A_32, %scan3A_33 : i32
      %scan3A_35 = arith.constant 1 : i32
      scf.for %scan3A_37 = %scan3A_32 to %scan3A_34 step %scan3A_35  : i32 {
        %broadcast_in_dim3A = arith.constant 1.000000e+00 : f32
        %broadcast_in_dim3A_38 = vector.broadcast %broadcast_in_dim3A : f32 to vector<16xf32>
        %mul3A_39 = arith.constant 16 : i32
        %mul3A_40 = arith.muli %scan3A_37, %mul3A_39 : i32
        %swap3A = arith.index_cast %scan3A_31 : i32 to index
        %swap3A_41 = arith.index_cast %mul3A_40 : i32 to index
        %swap3A_42 = tpu.vector_load %arg5[%swap3A, %swap3A_41] {strides = array<i32>} : memref<128x128xf32, #tpu.memory_space<vmem>>, vector<1x16xf32>,
        %swap3A_43 = vector.shape_cast %swap3A_42 : vector<1x16xf32> to vector<16xf32>
        %swap3A_44 = vector.shape_cast %broadcast_in_dim3A_38 : vector<16xf32> to vector<1x16xf32>
        tpu.vector_store %arg5[%swap3A, %swap3A_41], %swap3A_44 {strides = array<i32>} : memref<128x128xf32, #tpu.memory_space<vmem>>, vector<1x16xf32>,
      }
      %scan3A_36 = arith.constant 8 : i32
    }
    %scan3A_17 = arith.constant 128 : i32
    "tpu.region"() ({
      %run_scoped3A = tpu.sem_alloc : memref<!tpu.dma_semaphore, #tpu.memory_space<semaphore_mem>>
      %dma_start3A = arith.constant 0 : i32
      %dma_start3A_31 = arith.constant 0 : i32
      %dma_start3A_32 = tpu.memref_slice %arg2[%add3A, %dma_start3A, %dma_start3A_31] : memref<32x79x128xi32, #tpu.memory_space<hbm>> -> memref<1x79x128xi32, #tpu.memory_space<hbm>>
      %dma_start3A_33 = tpu.memref_squeeze %dma_start3A_32 : memref<1x79x128xi32, #tpu.memory_space<hbm>> -> memref<79x128xi32, #tpu.memory_space<hbm>>
      %dma_start3A_34 = arith.constant 0 : i32
      %dma_start3A_35 = arith.constant 0 : i32
      %dma_start3A_36 = tpu.memref_slice %arg2[%add3A, %dma_start3A_34, %dma_start3A_35] : memref<32x79x128xi32, #tpu.memory_space<hbm>> -> memref<1x79x128xi32, #tpu.memory_space<hbm>>
      %dma_start3A_37 = tpu.memref_squeeze %dma_start3A_36 : memref<1x79x128xi32, #tpu.memory_space<hbm>> -> memref<79x128xi32, #tpu.memory_space<hbm>>
      tpu.enqueue_dma source(%dma_start3A_37 : memref<79x128xi32, #tpu.memory_space<hbm>>) target(%arg4 : memref<79x128xi32, #tpu.memory_space<vmem>>) target_semaphore(%run_scoped3A : memref<!tpu.dma_semaphore, #tpu.memory_space<semaphore_mem>>)
      %dma_wait3A = arith.constant 0 : i32
      %dma_wait3A_38 = arith.constant 0 : i32
      %dma_wait3A_39 = tpu.memref_slice %arg2[%add3A, %dma_wait3A, %dma_wait3A_38] : memref<32x79x128xi32, #tpu.memory_space<hbm>> -> memref<1x79x128xi32, #tpu.memory_space<hbm>>
      %dma_wait3A_40 = tpu.memref_squeeze %dma_wait3A_39 : memref<1x79x128xi32, #tpu.memory_space<hbm>> -> memref<79x128xi32, #tpu.memory_space<hbm>>
      %dma_wait3A_41 = arith.constant 0 : i32
      %dma_wait3A_42 = arith.constant 0 : i32
      %dma_wait3A_43 = tpu.memref_slice %arg2[%add3A, %dma_wait3A_41, %dma_wait3A_42] : memref<32x79x128xi32, #tpu.memory_space<hbm>> -> memref<1x79x128xi32, #tpu.memory_space<hbm>>
      %dma_wait3A_44 = tpu.memref_squeeze %dma_wait3A_43 : memref<1x79x128xi32, #tpu.memory_space<hbm>> -> memref<79x128xi32, #tpu.memory_space<hbm>>
      tpu.wait_dma2 semaphore(%run_scoped3A : memref<!tpu.dma_semaphore, #tpu.memory_space<semaphore_mem>>) src(%dma_wait3A_44 : memref<79x128xi32, #tpu.memory_space<hbm>>) dst(%arg4 : memref<79x128xi32, #tpu.memory_space<vmem>>)
      tpu.yield
    }) : () -> ()
    %scan3A_18 = arith.constant 0 : i32
    %scan3A_19 = arith.constant 0 : i32
    %scan3A_20 = arith.constant 79 : i32
    %scan3A_21 = arith.addi %scan3A_19, %scan3A_20 : i32
    %scan3A_22 = arith.constant 1 : i32
    scf.for %scan3A_31 = %scan3A_19 to %scan3A_21 step %scan3A_22  : i32 {
      "tpu.region"() ({
        %run_scoped3A = tpu.sem_alloc : memref<!tpu.dma_semaphore, #tpu.memory_space<semaphore_mem>>
        %dma_start3A = arith.constant 0 : i32
        %dma_start3A_32 = tpu.memref_slice %arg4[%scan3A_31, %dma_start3A] : memref<79x128xi32, #tpu.memory_space<vmem>> -> memref<1x128xi32, #tpu.memory_space<vmem>>
        %dma_start3A_33 = tpu.memref_squeeze %dma_start3A_32 : memref<1x128xi32, #tpu.memory_space<vmem>> -> memref<128xi32, #tpu.memory_space<vmem>>
        %dma_start3A_34 = arith.constant 0 : i32
        %dma_start3A_35 = arith.constant 0 : i32
        %dma_start3A_36 = tpu.memref_slice %arg6[%dma_start3A_34, %dma_start3A_35] : memref<10240x128xf32, #tpu.memory_space<vmem_shared>> -> memref<10240x128xf32, #tpu.memory_space<vmem_shared>>
        tpu.enqueue_indirect_dma source(%arg5 : memref<128x128xf32, #tpu.memory_space<vmem>>) target(%dma_start3A_36 : memref<10240x128xf32, #tpu.memory_space<vmem_shared>>) offsets(%dma_start3A_33 : memref<128xi32, #tpu.memory_space<vmem>>) semaphore(%run_scoped3A : memref<!tpu.dma_semaphore, #tpu.memory_space<semaphore_mem>>) {add = true}
        %dma_wait3A = arith.constant 0 : i32
        %dma_wait3A_37 = tpu.memref_slice %arg4[%scan3A_31, %dma_wait3A] : memref<79x128xi32, #tpu.memory_space<vmem>> -> memref<1x128xi32, #tpu.memory_space<vmem>>
        %dma_wait3A_38 = tpu.memref_squeeze %dma_wait3A_37 : memref<1x128xi32, #tpu.memory_space<vmem>> -> memref<128xi32, #tpu.memory_space<vmem>>
        %dma_wait3A_39 = arith.constant 0 : i32
        %dma_wait3A_40 = arith.constant 0 : i32
        %dma_wait3A_41 = tpu.memref_slice %arg6[%dma_wait3A_39, %dma_wait3A_40] : memref<10240x128xf32, #tpu.memory_space<vmem_shared>> -> memref<10240x128xf32, #tpu.memory_space<vmem_shared>>
        tpu.wait_indirect_dma semaphore(%run_scoped3A : memref<!tpu.dma_semaphore, #tpu.memory_space<semaphore_mem>>) src(%arg5 : memref<128x128xf32, #tpu.memory_space<vmem>>) dst(%dma_wait3A_41 : memref<10240x128xf32, #tpu.memory_space<vmem_shared>>)
        tpu.yield
      }) : () -> ()
    }
    %scan3A_23 = arith.constant 79 : i32
    %barrier3A_24 = arith.constant 0 : index
    tpu.barrier barrier_id(%barrier3A_24)
    %scan3A_25 = arith.constant 0 : i32
    %scan3A_26 = arith.constant 0 : i32
    %scan3A_27 = arith.constant 5 : i32
    %scan3A_28 = arith.addi %scan3A_26, %scan3A_27 : i32
    %scan3A_29 = arith.constant 1 : i32
    scf.for %scan3A_31 = %scan3A_26 to %scan3A_28 step %scan3A_29  : i32 {
      %mul3A_32 = arith.constant 640 : i32
      %mul3A_33 = arith.muli %arg1, %mul3A_32 : i32
      %mul3A_34 = arith.constant 128 : i32
      %mul3A_35 = arith.muli %scan3A_31, %mul3A_34 : i32
      %add3A_36 = arith.addi %mul3A_33, %mul3A_35 : i32
      "tpu.region"() ({
        %run_scoped3A = tpu.sem_alloc : memref<!tpu.dma_semaphore, #tpu.memory_space<semaphore_mem>>
        %dma_start3A = arith.constant 0 : i32
        %dma_start3A_42 = tpu.memref_slice %arg6[%add3A_36, %dma_start3A] : memref<10240x128xf32, #tpu.memory_space<vmem_shared>> -> memref<128x128xf32, #tpu.memory_space<vmem_shared>>
        %dma_start3A_43 = arith.constant 0 : i32
        %dma_start3A_44 = tpu.memref_slice %arg6[%add3A_36, %dma_start3A_43] : memref<10240x128xf32, #tpu.memory_space<vmem_shared>> -> memref<128x128xf32, #tpu.memory_space<vmem_shared>>
        tpu.enqueue_dma source(%dma_start3A_44 : memref<128x128xf32, #tpu.memory_space<vmem_shared>>) target(%arg5 : memref<128x128xf32, #tpu.memory_space<vmem>>) target_semaphore(%run_scoped3A : memref<!tpu.dma_semaphore, #tpu.memory_space<semaphore_mem>>)
        %dma_wait3A = arith.constant 0 : i32
        %dma_wait3A_45 = tpu.memref_slice %arg6[%add3A_36, %dma_wait3A] : memref<10240x128xf32, #tpu.memory_space<vmem_shared>> -> memref<128x128xf32, #tpu.memory_space<vmem_shared>>
        %dma_wait3A_46 = arith.constant 0 : i32
        %dma_wait3A_47 = tpu.memref_slice %arg6[%add3A_36, %dma_wait3A_46] : memref<10240x128xf32, #tpu.memory_space<vmem_shared>> -> memref<128x128xf32, #tpu.memory_space<vmem_shared>>
        tpu.wait_dma2 semaphore(%run_scoped3A : memref<!tpu.dma_semaphore, #tpu.memory_space<semaphore_mem>>) src(%dma_wait3A_47 : memref<128x128xf32, #tpu.memory_space<vmem_shared>>) dst(%arg5 : memref<128x128xf32, #tpu.memory_space<vmem>>)
        tpu.yield
      }) : () -> ()
      %mul3A_37 = arith.constant 640 : i32
      %mul3A_38 = arith.muli %arg1, %mul3A_37 : i32
      %mul3A_39 = arith.constant 128 : i32
      %mul3A_40 = arith.muli %scan3A_31, %mul3A_39 : i32
      %add3A_41 = arith.addi %mul3A_38, %mul3A_40 : i32
      "tpu.region"() ({
        %run_scoped3A = tpu.sem_alloc : memref<!tpu.dma_semaphore, #tpu.memory_space<semaphore_mem>>
        %dma_start3A = arith.constant 0 : i32
        %dma_start3A_42 = tpu.memref_slice %arg3[%arg0, %add3A_41, %dma_start3A] : memref<2x10240x128xf32, #tpu.memory_space<hbm>> -> memref<1x128x128xf32, #tpu.memory_space<hbm>>
        %dma_start3A_43 = tpu.memref_squeeze %dma_start3A_42 : memref<1x128x128xf32, #tpu.memory_space<hbm>> -> memref<128x128xf32, #tpu.memory_space<hbm>>
        %dma_start3A_44 = arith.constant 0 : i32
        %dma_start3A_45 = tpu.memref_slice %arg3[%arg0, %add3A_41, %dma_start3A_44] : memref<2x10240x128xf32, #tpu.memory_space<hbm>> -> memref<1x128x128xf32, #tpu.memory_space<hbm>>
        %dma_start3A_46 = tpu.memref_squeeze %dma_start3A_45 : memref<1x128x128xf32, #tpu.memory_space<hbm>> -> memref<128x128xf32, #tpu.memory_space<hbm>>
        tpu.enqueue_dma source(%arg5 : memref<128x128xf32, #tpu.memory_space<vmem>>) target(%dma_start3A_46 : memref<128x128xf32, #tpu.memory_space<hbm>>) target_semaphore(%run_scoped3A : memref<!tpu.dma_semaphore, #tpu.memory_space<semaphore_mem>>)
        %dma_wait3A = arith.constant 0 : i32
        %dma_wait3A_47 = tpu.memref_slice %arg3[%arg0, %add3A_41, %dma_wait3A] : memref<2x10240x128xf32, #tpu.memory_space<hbm>> -> memref<1x128x128xf32, #tpu.memory_space<hbm>>
        %dma_wait3A_48 = tpu.memref_squeeze %dma_wait3A_47 : memref<1x128x128xf32, #tpu.memory_space<hbm>> -> memref<128x128xf32, #tpu.memory_space<hbm>>
        %dma_wait3A_49 = arith.constant 0 : i32
        %dma_wait3A_50 = tpu.memref_slice %arg3[%arg0, %add3A_41, %dma_wait3A_49] : memref<2x10240x128xf32, #tpu.memory_space<hbm>> -> memref<1x128x128xf32, #tpu.memory_space<hbm>>
        %dma_wait3A_51 = tpu.memref_squeeze %dma_wait3A_50 : memref<1x128x128xf32, #tpu.memory_space<hbm>> -> memref<128x128xf32, #tpu.memory_space<hbm>>
        tpu.wait_dma2 semaphore(%run_scoped3A : memref<!tpu.dma_semaphore, #tpu.memory_space<semaphore_mem>>) src(%arg5 : memref<128x128xf32, #tpu.memory_space<vmem>>) dst(%dma_wait3A_51 : memref<128x128xf32, #tpu.memory_space<hbm>>)
        tpu.yield
      }) : () -> ()
    }
    %scan3A_30 = arith.constant 5 : i32
    return
  }
}

#map = affine_map<(d0, d1) -> (0, 0, 0)>
#map1 = affine_map<(d0, d1) -> (0, 0)>
module attributes {stable_mosaic.version = 14 : i64} {
  func.func @_agg_body(%arg0: i32, %arg1: i32, %arg2: memref<32x79x128xi32, #tpu.memory_space<hbm>>, %arg3: memref<32x79x128xi32, #tpu.memory_space<hbm>>, %arg4: memref<10240x128xf32, #tpu.memory_space<hbm>>, %arg5: memref<2x10240x128xf32, #tpu.memory_space<hbm>>, %arg6: memref<79x128xi32, #tpu.memory_space<vmem>>, %arg7: memref<79x128xi32, #tpu.memory_space<vmem>>, %arg8: memref<128x128xf32, #tpu.memory_space<vmem>>, %arg9: memref<!tpu.dma_semaphore, #tpu.memory_space<semaphore_mem>>, %arg10: memref<10240x128xf32, #tpu.memory_space<vmem_shared>>) attributes {dimension_semantics = [#tpu.dimension_semantics<core_parallel>, #tpu.dimension_semantics<subcore_parallel>], iteration_bounds = array<i64: 2, 16>, scalar_prefetch = 0 : i64, scratch_operands = 5 : i64, tpu.core_type = #tpu.core_type<sc_vector_subcore>, window_params = [{transform_indices = #map}, {transform_indices = #map}, {transform_indices = #map1}, {transform_indices = #map}]} {
    %mul3A = arith.constant 16 : i32
    %mul3A_0 = arith.muli %arg0, %mul3A : i32
    %add3A = arith.addi %mul3A_0, %arg1 : i32
    %scan3A = arith.constant 0 : i32
    %scan3A_1 = arith.constant 0 : i32
    %scan3A_2 = arith.constant 128 : i32
    %scan3A_3 = arith.addi %scan3A_1, %scan3A_2 : i32
    %scan3A_4 = arith.constant 1 : i32
    scf.for %scan3A_25 = %scan3A_1 to %scan3A_3 step %scan3A_4  : i32 {
      %scan3A_26 = arith.constant 0 : i32
      %scan3A_27 = arith.constant 8 : i32
      %scan3A_28 = arith.addi %scan3A_26, %scan3A_27 : i32
      %scan3A_29 = arith.constant 1 : i32
      scf.for %scan3A_31 = %scan3A_26 to %scan3A_28 step %scan3A_29  : i32 {
        %broadcast_in_dim3A = arith.constant 0.000000e+00 : f32
        %broadcast_in_dim3A_32 = vector.broadcast %broadcast_in_dim3A : f32 to vector<16xf32>
        %mul3A_33 = arith.constant 16 : i32
        %mul3A_34 = arith.muli %scan3A_31, %mul3A_33 : i32
        %swap3A = arith.index_cast %scan3A_25 : i32 to index
        %swap3A_35 = arith.index_cast %mul3A_34 : i32 to index
        %swap3A_36 = tpu.vector_load %arg8[%swap3A, %swap3A_35] {strides = array<i32>} : memref<128x128xf32, #tpu.memory_space<vmem>>, vector<1x16xf32>,
        %swap3A_37 = vector.shape_cast %swap3A_36 : vector<1x16xf32> to vector<16xf32>
        %swap3A_38 = vector.shape_cast %broadcast_in_dim3A_32 : vector<16xf32> to vector<1x16xf32>
        tpu.vector_store %arg8[%swap3A, %swap3A_35], %swap3A_38 {strides = array<i32>} : memref<128x128xf32, #tpu.memory_space<vmem>>, vector<1x16xf32>,
      }
      %scan3A_30 = arith.constant 8 : i32
    }
    %scan3A_5 = arith.constant 128 : i32
    %scan3A_6 = arith.constant 0 : i32
    %scan3A_7 = arith.constant 0 : i32
    %scan3A_8 = arith.constant 5 : i32
    %scan3A_9 = arith.addi %scan3A_7, %scan3A_8 : i32
    %scan3A_10 = arith.constant 1 : i32
    scf.for %scan3A_25 = %scan3A_7 to %scan3A_9 step %scan3A_10  : i32 {
      %mul3A_26 = arith.constant 640 : i32
      %mul3A_27 = arith.muli %arg1, %mul3A_26 : i32
      %mul3A_28 = arith.constant 128 : i32
      %mul3A_29 = arith.muli %scan3A_25, %mul3A_28 : i32
      %add3A_30 = arith.addi %mul3A_27, %mul3A_29 : i32
      "tpu.region"() ({
        %run_scoped3A = tpu.sem_alloc : memref<!tpu.dma_semaphore, #tpu.memory_space<semaphore_mem>>
        %dma_start3A = arith.constant 0 : i32
        %dma_start3A_31 = tpu.memref_slice %arg10[%add3A_30, %dma_start3A] : memref<10240x128xf32, #tpu.memory_space<vmem_shared>> -> memref<128x128xf32, #tpu.memory_space<vmem_shared>>
        %dma_start3A_32 = arith.constant 0 : i32
        %dma_start3A_33 = tpu.memref_slice %arg10[%add3A_30, %dma_start3A_32] : memref<10240x128xf32, #tpu.memory_space<vmem_shared>> -> memref<128x128xf32, #tpu.memory_space<vmem_shared>>
        tpu.enqueue_dma source(%arg8 : memref<128x128xf32, #tpu.memory_space<vmem>>) target(%dma_start3A_33 : memref<128x128xf32, #tpu.memory_space<vmem_shared>>) target_semaphore(%run_scoped3A : memref<!tpu.dma_semaphore, #tpu.memory_space<semaphore_mem>>)
        %dma_wait3A = arith.constant 0 : i32
        %dma_wait3A_34 = tpu.memref_slice %arg10[%add3A_30, %dma_wait3A] : memref<10240x128xf32, #tpu.memory_space<vmem_shared>> -> memref<128x128xf32, #tpu.memory_space<vmem_shared>>
        %dma_wait3A_35 = arith.constant 0 : i32
        %dma_wait3A_36 = tpu.memref_slice %arg10[%add3A_30, %dma_wait3A_35] : memref<10240x128xf32, #tpu.memory_space<vmem_shared>> -> memref<128x128xf32, #tpu.memory_space<vmem_shared>>
        tpu.wait_dma2 semaphore(%run_scoped3A : memref<!tpu.dma_semaphore, #tpu.memory_space<semaphore_mem>>) src(%arg8 : memref<128x128xf32, #tpu.memory_space<vmem>>) dst(%dma_wait3A_36 : memref<128x128xf32, #tpu.memory_space<vmem_shared>>)
        tpu.yield
      }) : () -> ()
    }
    %scan3A_11 = arith.constant 5 : i32
    %barrier3A = arith.constant 0 : index
    tpu.barrier barrier_id(%barrier3A)
    "tpu.region"() ({
      %run_scoped3A = tpu.sem_alloc : memref<!tpu.dma_semaphore, #tpu.memory_space<semaphore_mem>>
      %dma_start3A = arith.constant 0 : i32
      %dma_start3A_25 = arith.constant 0 : i32
      %dma_start3A_26 = tpu.memref_slice %arg2[%add3A, %dma_start3A, %dma_start3A_25] : memref<32x79x128xi32, #tpu.memory_space<hbm>> -> memref<1x79x128xi32, #tpu.memory_space<hbm>>
      %dma_start3A_27 = tpu.memref_squeeze %dma_start3A_26 : memref<1x79x128xi32, #tpu.memory_space<hbm>> -> memref<79x128xi32, #tpu.memory_space<hbm>>
      %dma_start3A_28 = arith.constant 0 : i32
      %dma_start3A_29 = arith.constant 0 : i32
      %dma_start3A_30 = tpu.memref_slice %arg2[%add3A, %dma_start3A_28, %dma_start3A_29] : memref<32x79x128xi32, #tpu.memory_space<hbm>> -> memref<1x79x128xi32, #tpu.memory_space<hbm>>
      %dma_start3A_31 = tpu.memref_squeeze %dma_start3A_30 : memref<1x79x128xi32, #tpu.memory_space<hbm>> -> memref<79x128xi32, #tpu.memory_space<hbm>>
      tpu.enqueue_dma source(%dma_start3A_31 : memref<79x128xi32, #tpu.memory_space<hbm>>) target(%arg6 : memref<79x128xi32, #tpu.memory_space<vmem>>) target_semaphore(%run_scoped3A : memref<!tpu.dma_semaphore, #tpu.memory_space<semaphore_mem>>)
      %dma_wait3A = arith.constant 0 : i32
      %dma_wait3A_32 = arith.constant 0 : i32
      %dma_wait3A_33 = tpu.memref_slice %arg2[%add3A, %dma_wait3A, %dma_wait3A_32] : memref<32x79x128xi32, #tpu.memory_space<hbm>> -> memref<1x79x128xi32, #tpu.memory_space<hbm>>
      %dma_wait3A_34 = tpu.memref_squeeze %dma_wait3A_33 : memref<1x79x128xi32, #tpu.memory_space<hbm>> -> memref<79x128xi32, #tpu.memory_space<hbm>>
      %dma_wait3A_35 = arith.constant 0 : i32
      %dma_wait3A_36 = arith.constant 0 : i32
      %dma_wait3A_37 = tpu.memref_slice %arg2[%add3A, %dma_wait3A_35, %dma_wait3A_36] : memref<32x79x128xi32, #tpu.memory_space<hbm>> -> memref<1x79x128xi32, #tpu.memory_space<hbm>>
      %dma_wait3A_38 = tpu.memref_squeeze %dma_wait3A_37 : memref<1x79x128xi32, #tpu.memory_space<hbm>> -> memref<79x128xi32, #tpu.memory_space<hbm>>
      tpu.wait_dma2 semaphore(%run_scoped3A : memref<!tpu.dma_semaphore, #tpu.memory_space<semaphore_mem>>) src(%dma_wait3A_38 : memref<79x128xi32, #tpu.memory_space<hbm>>) dst(%arg6 : memref<79x128xi32, #tpu.memory_space<vmem>>)
      tpu.yield
    }) : () -> ()
    "tpu.region"() ({
      %run_scoped3A = tpu.sem_alloc : memref<!tpu.dma_semaphore, #tpu.memory_space<semaphore_mem>>
      %dma_start3A = arith.constant 0 : i32
      %dma_start3A_25 = arith.constant 0 : i32
      %dma_start3A_26 = tpu.memref_slice %arg3[%add3A, %dma_start3A, %dma_start3A_25] : memref<32x79x128xi32, #tpu.memory_space<hbm>> -> memref<1x79x128xi32, #tpu.memory_space<hbm>>
      %dma_start3A_27 = tpu.memref_squeeze %dma_start3A_26 : memref<1x79x128xi32, #tpu.memory_space<hbm>> -> memref<79x128xi32, #tpu.memory_space<hbm>>
      %dma_start3A_28 = arith.constant 0 : i32
      %dma_start3A_29 = arith.constant 0 : i32
      %dma_start3A_30 = tpu.memref_slice %arg3[%add3A, %dma_start3A_28, %dma_start3A_29] : memref<32x79x128xi32, #tpu.memory_space<hbm>> -> memref<1x79x128xi32, #tpu.memory_space<hbm>>
      %dma_start3A_31 = tpu.memref_squeeze %dma_start3A_30 : memref<1x79x128xi32, #tpu.memory_space<hbm>> -> memref<79x128xi32, #tpu.memory_space<hbm>>
      tpu.enqueue_dma source(%dma_start3A_31 : memref<79x128xi32, #tpu.memory_space<hbm>>) target(%arg7 : memref<79x128xi32, #tpu.memory_space<vmem>>) target_semaphore(%run_scoped3A : memref<!tpu.dma_semaphore, #tpu.memory_space<semaphore_mem>>)
      %dma_wait3A = arith.constant 0 : i32
      %dma_wait3A_32 = arith.constant 0 : i32
      %dma_wait3A_33 = tpu.memref_slice %arg3[%add3A, %dma_wait3A, %dma_wait3A_32] : memref<32x79x128xi32, #tpu.memory_space<hbm>> -> memref<1x79x128xi32, #tpu.memory_space<hbm>>
      %dma_wait3A_34 = tpu.memref_squeeze %dma_wait3A_33 : memref<1x79x128xi32, #tpu.memory_space<hbm>> -> memref<79x128xi32, #tpu.memory_space<hbm>>
      %dma_wait3A_35 = arith.constant 0 : i32
      %dma_wait3A_36 = arith.constant 0 : i32
      %dma_wait3A_37 = tpu.memref_slice %arg3[%add3A, %dma_wait3A_35, %dma_wait3A_36] : memref<32x79x128xi32, #tpu.memory_space<hbm>> -> memref<1x79x128xi32, #tpu.memory_space<hbm>>
      %dma_wait3A_38 = tpu.memref_squeeze %dma_wait3A_37 : memref<1x79x128xi32, #tpu.memory_space<hbm>> -> memref<79x128xi32, #tpu.memory_space<hbm>>
      tpu.wait_dma2 semaphore(%run_scoped3A : memref<!tpu.dma_semaphore, #tpu.memory_space<semaphore_mem>>) src(%dma_wait3A_38 : memref<79x128xi32, #tpu.memory_space<hbm>>) dst(%arg7 : memref<79x128xi32, #tpu.memory_space<vmem>>)
      tpu.yield
    }) : () -> ()
    %scan3A_12 = arith.constant 0 : i32
    %scan3A_13 = arith.constant 0 : i32
    %scan3A_14 = arith.constant 79 : i32
    %scan3A_15 = arith.addi %scan3A_13, %scan3A_14 : i32
    %scan3A_16 = arith.constant 1 : i32
    scf.for %scan3A_25 = %scan3A_13 to %scan3A_15 step %scan3A_16  : i32 {
      %dma_start3A = arith.constant 0 : i32
      %dma_start3A_26 = tpu.memref_slice %arg6[%scan3A_25, %dma_start3A] : memref<79x128xi32, #tpu.memory_space<vmem>> -> memref<1x128xi32, #tpu.memory_space<vmem>>
      %dma_start3A_27 = tpu.memref_squeeze %dma_start3A_26 : memref<1x128xi32, #tpu.memory_space<vmem>> -> memref<128xi32, #tpu.memory_space<vmem>>
      %dma_start3A_28 = arith.constant 0 : i32
      %dma_start3A_29 = arith.constant 0 : i32
      %dma_start3A_30 = tpu.memref_slice %arg4[%dma_start3A_28, %dma_start3A_29] : memref<10240x128xf32, #tpu.memory_space<hbm>> -> memref<10240x128xf32, #tpu.memory_space<hbm>>
      tpu.enqueue_indirect_dma source(%dma_start3A_30 : memref<10240x128xf32, #tpu.memory_space<hbm>>) target(%arg8 : memref<128x128xf32, #tpu.memory_space<vmem>>) offsets(%dma_start3A_27 : memref<128xi32, #tpu.memory_space<vmem>>) semaphore(%arg9 : memref<!tpu.dma_semaphore, #tpu.memory_space<semaphore_mem>>)
      %dma_wait3A = arith.constant 0 : i32
      %dma_wait3A_31 = tpu.memref_slice %arg6[%scan3A_25, %dma_wait3A] : memref<79x128xi32, #tpu.memory_space<vmem>> -> memref<1x128xi32, #tpu.memory_space<vmem>>
      %dma_wait3A_32 = tpu.memref_squeeze %dma_wait3A_31 : memref<1x128xi32, #tpu.memory_space<vmem>> -> memref<128xi32, #tpu.memory_space<vmem>>
      %dma_wait3A_33 = arith.constant 0 : i32
      %dma_wait3A_34 = arith.constant 0 : i32
      %dma_wait3A_35 = tpu.memref_slice %arg4[%dma_wait3A_33, %dma_wait3A_34] : memref<10240x128xf32, #tpu.memory_space<hbm>> -> memref<10240x128xf32, #tpu.memory_space<hbm>>
      tpu.wait_indirect_dma semaphore(%arg9 : memref<!tpu.dma_semaphore, #tpu.memory_space<semaphore_mem>>) src(%dma_wait3A_35 : memref<10240x128xf32, #tpu.memory_space<hbm>>) dst(%arg8 : memref<128x128xf32, #tpu.memory_space<vmem>>)
      "tpu.region"() ({
        %run_scoped3A = tpu.sem_alloc : memref<!tpu.dma_semaphore, #tpu.memory_space<semaphore_mem>>
        %dma_start3A_36 = arith.constant 0 : i32
        %dma_start3A_37 = tpu.memref_slice %arg7[%scan3A_25, %dma_start3A_36] : memref<79x128xi32, #tpu.memory_space<vmem>> -> memref<1x128xi32, #tpu.memory_space<vmem>>
        %dma_start3A_38 = tpu.memref_squeeze %dma_start3A_37 : memref<1x128xi32, #tpu.memory_space<vmem>> -> memref<128xi32, #tpu.memory_space<vmem>>
        %dma_start3A_39 = arith.constant 0 : i32
        %dma_start3A_40 = arith.constant 0 : i32
        %dma_start3A_41 = tpu.memref_slice %arg10[%dma_start3A_39, %dma_start3A_40] : memref<10240x128xf32, #tpu.memory_space<vmem_shared>> -> memref<10240x128xf32, #tpu.memory_space<vmem_shared>>
        tpu.enqueue_indirect_dma source(%arg8 : memref<128x128xf32, #tpu.memory_space<vmem>>) target(%dma_start3A_41 : memref<10240x128xf32, #tpu.memory_space<vmem_shared>>) offsets(%dma_start3A_38 : memref<128xi32, #tpu.memory_space<vmem>>) semaphore(%run_scoped3A : memref<!tpu.dma_semaphore, #tpu.memory_space<semaphore_mem>>) {add = true}
        %dma_wait3A_42 = arith.constant 0 : i32
        %dma_wait3A_43 = tpu.memref_slice %arg7[%scan3A_25, %dma_wait3A_42] : memref<79x128xi32, #tpu.memory_space<vmem>> -> memref<1x128xi32, #tpu.memory_space<vmem>>
        %dma_wait3A_44 = tpu.memref_squeeze %dma_wait3A_43 : memref<1x128xi32, #tpu.memory_space<vmem>> -> memref<128xi32, #tpu.memory_space<vmem>>
        %dma_wait3A_45 = arith.constant 0 : i32
        %dma_wait3A_46 = arith.constant 0 : i32
        %dma_wait3A_47 = tpu.memref_slice %arg10[%dma_wait3A_45, %dma_wait3A_46] : memref<10240x128xf32, #tpu.memory_space<vmem_shared>> -> memref<10240x128xf32, #tpu.memory_space<vmem_shared>>
        tpu.wait_indirect_dma semaphore(%run_scoped3A : memref<!tpu.dma_semaphore, #tpu.memory_space<semaphore_mem>>) src(%arg8 : memref<128x128xf32, #tpu.memory_space<vmem>>) dst(%dma_wait3A_47 : memref<10240x128xf32, #tpu.memory_space<vmem_shared>>)
        tpu.yield
      }) : () -> ()
    }
    %scan3A_17 = arith.constant 79 : i32
    %barrier3A_18 = arith.constant 0 : index
    tpu.barrier barrier_id(%barrier3A_18)
    %scan3A_19 = arith.constant 0 : i32
    %scan3A_20 = arith.constant 0 : i32
    %scan3A_21 = arith.constant 5 : i32
    %scan3A_22 = arith.addi %scan3A_20, %scan3A_21 : i32
    %scan3A_23 = arith.constant 1 : i32
    scf.for %scan3A_25 = %scan3A_20 to %scan3A_22 step %scan3A_23  : i32 {
      %mul3A_26 = arith.constant 640 : i32
      %mul3A_27 = arith.muli %arg1, %mul3A_26 : i32
      %mul3A_28 = arith.constant 128 : i32
      %mul3A_29 = arith.muli %scan3A_25, %mul3A_28 : i32
      %add3A_30 = arith.addi %mul3A_27, %mul3A_29 : i32
      "tpu.region"() ({
        %run_scoped3A = tpu.sem_alloc : memref<!tpu.dma_semaphore, #tpu.memory_space<semaphore_mem>>
        %dma_start3A = arith.constant 0 : i32
        %dma_start3A_36 = tpu.memref_slice %arg10[%add3A_30, %dma_start3A] : memref<10240x128xf32, #tpu.memory_space<vmem_shared>> -> memref<128x128xf32, #tpu.memory_space<vmem_shared>>
        %dma_start3A_37 = arith.constant 0 : i32
        %dma_start3A_38 = tpu.memref_slice %arg10[%add3A_30, %dma_start3A_37] : memref<10240x128xf32, #tpu.memory_space<vmem_shared>> -> memref<128x128xf32, #tpu.memory_space<vmem_shared>>
        tpu.enqueue_dma source(%dma_start3A_38 : memref<128x128xf32, #tpu.memory_space<vmem_shared>>) target(%arg8 : memref<128x128xf32, #tpu.memory_space<vmem>>) target_semaphore(%run_scoped3A : memref<!tpu.dma_semaphore, #tpu.memory_space<semaphore_mem>>)
        %dma_wait3A = arith.constant 0 : i32
        %dma_wait3A_39 = tpu.memref_slice %arg10[%add3A_30, %dma_wait3A] : memref<10240x128xf32, #tpu.memory_space<vmem_shared>> -> memref<128x128xf32, #tpu.memory_space<vmem_shared>>
        %dma_wait3A_40 = arith.constant 0 : i32
        %dma_wait3A_41 = tpu.memref_slice %arg10[%add3A_30, %dma_wait3A_40] : memref<10240x128xf32, #tpu.memory_space<vmem_shared>> -> memref<128x128xf32, #tpu.memory_space<vmem_shared>>
        tpu.wait_dma2 semaphore(%run_scoped3A : memref<!tpu.dma_semaphore, #tpu.memory_space<semaphore_mem>>) src(%dma_wait3A_41 : memref<128x128xf32, #tpu.memory_space<vmem_shared>>) dst(%arg8 : memref<128x128xf32, #tpu.memory_space<vmem>>)
        tpu.yield
      }) : () -> ()
      %mul3A_31 = arith.constant 640 : i32
      %mul3A_32 = arith.muli %arg1, %mul3A_31 : i32
      %mul3A_33 = arith.constant 128 : i32
      %mul3A_34 = arith.muli %scan3A_25, %mul3A_33 : i32
      %add3A_35 = arith.addi %mul3A_32, %mul3A_34 : i32
      "tpu.region"() ({
        %run_scoped3A = tpu.sem_alloc : memref<!tpu.dma_semaphore, #tpu.memory_space<semaphore_mem>>
        %dma_start3A = arith.constant 0 : i32
        %dma_start3A_36 = tpu.memref_slice %arg5[%arg0, %add3A_35, %dma_start3A] : memref<2x10240x128xf32, #tpu.memory_space<hbm>> -> memref<1x128x128xf32, #tpu.memory_space<hbm>>
        %dma_start3A_37 = tpu.memref_squeeze %dma_start3A_36 : memref<1x128x128xf32, #tpu.memory_space<hbm>> -> memref<128x128xf32, #tpu.memory_space<hbm>>
        %dma_start3A_38 = arith.constant 0 : i32
        %dma_start3A_39 = tpu.memref_slice %arg5[%arg0, %add3A_35, %dma_start3A_38] : memref<2x10240x128xf32, #tpu.memory_space<hbm>> -> memref<1x128x128xf32, #tpu.memory_space<hbm>>
        %dma_start3A_40 = tpu.memref_squeeze %dma_start3A_39 : memref<1x128x128xf32, #tpu.memory_space<hbm>> -> memref<128x128xf32, #tpu.memory_space<hbm>>
        tpu.enqueue_dma source(%arg8 : memref<128x128xf32, #tpu.memory_space<vmem>>) target(%dma_start3A_40 : memref<128x128xf32, #tpu.memory_space<hbm>>) target_semaphore(%run_scoped3A : memref<!tpu.dma_semaphore, #tpu.memory_space<semaphore_mem>>)
        %dma_wait3A = arith.constant 0 : i32
        %dma_wait3A_41 = tpu.memref_slice %arg5[%arg0, %add3A_35, %dma_wait3A] : memref<2x10240x128xf32, #tpu.memory_space<hbm>> -> memref<1x128x128xf32, #tpu.memory_space<hbm>>
        %dma_wait3A_42 = tpu.memref_squeeze %dma_wait3A_41 : memref<1x128x128xf32, #tpu.memory_space<hbm>> -> memref<128x128xf32, #tpu.memory_space<hbm>>
        %dma_wait3A_43 = arith.constant 0 : i32
        %dma_wait3A_44 = tpu.memref_slice %arg5[%arg0, %add3A_35, %dma_wait3A_43] : memref<2x10240x128xf32, #tpu.memory_space<hbm>> -> memref<1x128x128xf32, #tpu.memory_space<hbm>>
        %dma_wait3A_45 = tpu.memref_squeeze %dma_wait3A_44 : memref<1x128x128xf32, #tpu.memory_space<hbm>> -> memref<128x128xf32, #tpu.memory_space<hbm>>
        tpu.wait_dma2 semaphore(%run_scoped3A : memref<!tpu.dma_semaphore, #tpu.memory_space<semaphore_mem>>) src(%arg8 : memref<128x128xf32, #tpu.memory_space<vmem>>) dst(%dma_wait3A_45 : memref<128x128xf32, #tpu.memory_space<hbm>>)
        tpu.yield
      }) : () -> ()
    }
    %scan3A_24 = arith.constant 5 : i32
    return
  }
}

module attributes {stable_mosaic.version = 14 : i64} {
  func.func @_mm_scale_body(%arg0: i32, %arg1: memref<640x128xf32, #tpu.memory_space<vmem>>, %arg2: memref<128x128xf32, #tpu.memory_space<vmem>>, %arg3: memref<640x128xf32, #tpu.memory_space<vmem>>, %arg4: memref<640x128xf32, #tpu.memory_space<vmem>>, %arg5: memref<640x128xf32, #tpu.memory_space<vmem>>) attributes {dimension_semantics = [#tpu.dimension_semantics<arbitrary>], iteration_bounds = array<i64: 16>, scalar_prefetch = 0 : i64, scratch_operands = 0 : i64, tpu.core_type = #tpu.core_type<tc>, window_params = [{transform_indices = @transform_0, window_bounds = array<i64: 640, 128>}, {pipeline_mode = #tpu.pipeline_mode<synchronous>, transform_indices = @transform_1, window_bounds = array<i64: 128, 128>}, {transform_indices = @transform_2, window_bounds = array<i64: 640, 128>}, {transform_indices = @transform_3, window_bounds = array<i64: 640, 128>}, {transform_indices = @transform_4, window_bounds = array<i64: 640, 128>}]} {
    %get3A = arith.constant 0 : index
    %get3A_0 = arith.constant 0 : index
    %get3A_1 = vector.load %arg1[%get3A, %get3A_0] : memref<640x128xf32, #tpu.memory_space<vmem>>, vector<640x128xf32>
    %get3A_2 = arith.constant 0 : index
    %get3A_3 = arith.constant 0 : index
    %get3A_4 = vector.load %arg2[%get3A_2, %get3A_3] : memref<128x128xf32, #tpu.memory_space<vmem>>, vector<128x128xf32>
    %dot_general3A = arith.constant dense<0.000000e+00> : vector<640x128xf32>
    %dot_general3A_5 = tpu.matmul %get3A_1, %get3A_4, %dot_general3A {dimension_numbers = #tpu.dot_dimension_numbers<[1], [0], [0], [1], [0, 0, 1, 1], [], []>, transpose_lhs_hint = false} : vector<640x128xf32>, vector<128x128xf32>, vector<640x128xf32> -> vector<640x128xf32>
    %get3A_6 = arith.constant 0 : index
    %get3A_7 = arith.constant 0 : index
    %get3A_8 = vector.load %arg3[%get3A_6, %get3A_7] : memref<640x128xf32, #tpu.memory_space<vmem>>, vector<640x1xf32>
    %get3A_9 = arith.constant 0 : index
    %get3A_10 = arith.constant 0 : index
    %get3A_11 = vector.load %arg4[%get3A_9, %get3A_10] : memref<640x128xf32, #tpu.memory_space<vmem>>, vector<640x1xf32>
    %add3A = arith.addf %get3A_8, %get3A_11 : vector<640x1xf32>
    %add3A_12 = arith.constant 1.000000e+00 : f32
    %add3A_13 = vector.broadcast %add3A_12 : f32 to vector<640x1xf32>
    %add3A_14 = arith.addf %add3A, %add3A_13 : vector<640x1xf32>
    %rsqrt3A = math.rsqrt %add3A_14 : vector<640x1xf32>
    %mul3A = vector.broadcast %rsqrt3A : vector<640x1xf32> to vector<640x128xf32>
    %mul3A_15 = arith.mulf %dot_general3A_5, %mul3A : vector<640x128xf32>
    %swap3A = arith.constant 0 : index
    %swap3A_16 = arith.constant 0 : index
    %swap3A_17 = vector.load %arg5[%swap3A, %swap3A_16] : memref<640x128xf32, #tpu.memory_space<vmem>>, vector<640x128xf32>
    tpu.vector_store %arg5[%swap3A, %swap3A_16], %mul3A_15 {strides = array<i32>} : memref<640x128xf32, #tpu.memory_space<vmem>>, vector<640x128xf32>,
    return
  }
  func.func @transform_0(%arg0: i32) -> (i32, i32) {
    %c0_i32 = arith.constant 0 : i32
    %c0_i32_0 = arith.constant 0 : i32
    return %arg0, %c0_i32 : i32, i32
  }
  func.func @transform_1(%arg0: i32) -> (i32, i32) {
    %c0_i32 = arith.constant 0 : i32
    %c0_i32_0 = arith.constant 0 : i32
    %c0_i32_1 = arith.constant 0 : i32
    return %c0_i32, %c0_i32_0 : i32, i32
  }
  func.func @transform_2(%arg0: i32) -> (i32, i32) {
    %c0_i32 = arith.constant 0 : i32
    %c0_i32_0 = arith.constant 0 : i32
    return %arg0, %c0_i32 : i32, i32
  }
  func.func @transform_3(%arg0: i32) -> (i32, i32) {
    %c0_i32 = arith.constant 0 : i32
    %c0_i32_0 = arith.constant 0 : i32
    return %arg0, %c0_i32 : i32, i32
  }
  func.func @transform_4(%arg0: i32) -> (i32, i32) {
    %c0_i32 = arith.constant 0 : i32
    %c0_i32_0 = arith.constant 0 : i32
    return %arg0, %c0_i32 : i32, i32
  }
}

module attributes {stable_mosaic.version = 14 : i64} {
  func.func @_mid_body(%arg0: i32, %arg1: memref<640x128xf32, #tpu.memory_space<vmem>>, %arg2: memref<640x128xf32, #tpu.memory_space<vmem>>, %arg3: memref<640x128xf32, #tpu.memory_space<vmem>>, %arg4: memref<640x128xf32, #tpu.memory_space<vmem>>, %arg5: memref<640x128xf32, #tpu.memory_space<vmem>>, %arg6: memref<1x128xf32, #tpu.memory_space<vmem>>, %arg7: memref<128x128xf32, #tpu.memory_space<vmem>>, %arg8: memref<640x128xf32, #tpu.memory_space<vmem>>) attributes {dimension_semantics = [#tpu.dimension_semantics<arbitrary>], iteration_bounds = array<i64: 16>, scalar_prefetch = 0 : i64, scratch_operands = 0 : i64, tpu.core_type = #tpu.core_type<tc>, window_params = [{transform_indices = @transform_0, window_bounds = array<i64: 640, 128>}, {transform_indices = @transform_1, window_bounds = array<i64: 640, 128>}, {transform_indices = @transform_2, window_bounds = array<i64: 640, 128>}, {transform_indices = @transform_3, window_bounds = array<i64: 640, 128>}, {transform_indices = @transform_4, window_bounds = array<i64: 640, 128>}, {pipeline_mode = #tpu.pipeline_mode<synchronous>, transform_indices = @transform_5, window_bounds = array<i64: 1, 128>}, {pipeline_mode = #tpu.pipeline_mode<synchronous>, transform_indices = @transform_6, window_bounds = array<i64: 128, 128>}, {transform_indices = @transform_7, window_bounds = array<i64: 640, 128>}]} {
    %get3A = arith.constant 0 : index
    %get3A_0 = arith.constant 0 : index
    %get3A_1 = vector.load %arg4[%get3A, %get3A_0] : memref<640x128xf32, #tpu.memory_space<vmem>>, vector<640x1xf32>
    %get3A_2 = arith.constant 0 : index
    %get3A_3 = arith.constant 0 : index
    %get3A_4 = vector.load %arg5[%get3A_2, %get3A_3] : memref<640x128xf32, #tpu.memory_space<vmem>>, vector<640x1xf32>
    %add3A = arith.addf %get3A_1, %get3A_4 : vector<640x1xf32>
    %add3A_5 = arith.constant 1.000000e+00 : f32
    %add3A_6 = vector.broadcast %add3A_5 : f32 to vector<640x1xf32>
    %add3A_7 = arith.addf %add3A, %add3A_6 : vector<640x1xf32>
    %rsqrt3A = math.rsqrt %add3A_7 : vector<640x1xf32>
    %get3A_8 = arith.constant 0 : index
    %get3A_9 = arith.constant 0 : index
    %get3A_10 = vector.load %arg1[%get3A_8, %get3A_9] : memref<640x128xf32, #tpu.memory_space<vmem>>, vector<640x128xf32>
    %get3A_11 = arith.constant 0 : index
    %get3A_12 = arith.constant 0 : index
    %get3A_13 = vector.load %arg2[%get3A_11, %get3A_12] : memref<640x128xf32, #tpu.memory_space<vmem>>, vector<640x128xf32>
    %add3A_14 = arith.addf %get3A_10, %get3A_13 : vector<640x128xf32>
    %get3A_15 = arith.constant 0 : index
    %get3A_16 = arith.constant 0 : index
    %get3A_17 = vector.load %arg3[%get3A_15, %get3A_16] : memref<640x128xf32, #tpu.memory_space<vmem>>, vector<640x128xf32>
    %add3A_18 = arith.addf %add3A_14, %get3A_17 : vector<640x128xf32>
    %mul3A = vector.broadcast %rsqrt3A : vector<640x1xf32> to vector<640x128xf32>
    %mul3A_19 = arith.mulf %add3A_18, %mul3A : vector<640x128xf32>
    %get3A_20 = arith.constant 0 : index
    %get3A_21 = arith.constant 0 : index
    %get3A_22 = vector.load %arg6[%get3A_20, %get3A_21] : memref<1x128xf32, #tpu.memory_space<vmem>>, vector<1x128xf32>
    %add3A_23 = vector.broadcast %get3A_22 : vector<1x128xf32> to vector<640x128xf32>
    %add3A_24 = arith.addf %mul3A_19, %add3A_23 : vector<640x128xf32>
    %max3A = arith.constant 0.000000e+00 : f32
    %max3A_25 = vector.broadcast %max3A : f32 to vector<640x128xf32>
    %max3A_26 = arith.maximumf %add3A_24, %max3A_25 : vector<640x128xf32>
    %get3A_27 = arith.constant 0 : index
    %get3A_28 = arith.constant 0 : index
    %get3A_29 = vector.load %arg7[%get3A_27, %get3A_28] : memref<128x128xf32, #tpu.memory_space<vmem>>, vector<128x128xf32>
    %dot_general3A = arith.constant dense<0.000000e+00> : vector<640x128xf32>
    %dot_general3A_30 = tpu.matmul %max3A_26, %get3A_29, %dot_general3A {dimension_numbers = #tpu.dot_dimension_numbers<[1], [0], [0], [1], [0, 0, 1, 1], [], []>, transpose_lhs_hint = false} : vector<640x128xf32>, vector<128x128xf32>, vector<640x128xf32> -> vector<640x128xf32>
    %mul3A_31 = vector.broadcast %rsqrt3A : vector<640x1xf32> to vector<640x128xf32>
    %mul3A_32 = arith.mulf %dot_general3A_30, %mul3A_31 : vector<640x128xf32>
    %swap3A = arith.constant 0 : index
    %swap3A_33 = arith.constant 0 : index
    %swap3A_34 = vector.load %arg8[%swap3A, %swap3A_33] : memref<640x128xf32, #tpu.memory_space<vmem>>, vector<640x128xf32>
    tpu.vector_store %arg8[%swap3A, %swap3A_33], %mul3A_32 {strides = array<i32>} : memref<640x128xf32, #tpu.memory_space<vmem>>, vector<640x128xf32>,
    return
  }
  func.func @transform_0(%arg0: i32) -> (i32, i32) {
    %c0_i32 = arith.constant 0 : i32
    %c0_i32_0 = arith.constant 0 : i32
    return %arg0, %c0_i32 : i32, i32
  }
  func.func @transform_1(%arg0: i32) -> (i32, i32) {
    %c0_i32 = arith.constant 0 : i32
    %c0_i32_0 = arith.constant 0 : i32
    return %arg0, %c0_i32 : i32, i32
  }
  func.func @transform_2(%arg0: i32) -> (i32, i32) {
    %c0_i32 = arith.constant 0 : i32
    %c0_i32_0 = arith.constant 0 : i32
    return %arg0, %c0_i32 : i32, i32
  }
  func.func @transform_3(%arg0: i32) -> (i32, i32) {
    %c0_i32 = arith.constant 0 : i32
    %c0_i32_0 = arith.constant 0 : i32
    return %arg0, %c0_i32 : i32, i32
  }
  func.func @transform_4(%arg0: i32) -> (i32, i32) {
    %c0_i32 = arith.constant 0 : i32
    %c0_i32_0 = arith.constant 0 : i32
    return %arg0, %c0_i32 : i32, i32
  }
  func.func @transform_5(%arg0: i32) -> (i32, i32) {
    %c0_i32 = arith.constant 0 : i32
    %c0_i32_0 = arith.constant 0 : i32
    %c0_i32_1 = arith.constant 0 : i32
    return %c0_i32, %c0_i32_0 : i32, i32
  }
  func.func @transform_6(%arg0: i32) -> (i32, i32) {
    %c0_i32 = arith.constant 0 : i32
    %c0_i32_0 = arith.constant 0 : i32
    %c0_i32_1 = arith.constant 0 : i32
    return %c0_i32, %c0_i32_0 : i32, i32
  }
  func.func @transform_7(%arg0: i32) -> (i32, i32) {
    %c0_i32 = arith.constant 0 : i32
    %c0_i32_0 = arith.constant 0 : i32
    return %arg0, %c0_i32 : i32, i32
  }
}

module attributes {stable_mosaic.version = 14 : i64} {
  func.func @_fin_body(%arg0: i32, %arg1: memref<640x128xf32, #tpu.memory_space<vmem>>, %arg2: memref<640x128xf32, #tpu.memory_space<vmem>>, %arg3: memref<640x128xf32, #tpu.memory_space<vmem>>, %arg4: memref<640x128xf32, #tpu.memory_space<vmem>>, %arg5: memref<640x128xf32, #tpu.memory_space<vmem>>, %arg6: memref<1x128xf32, #tpu.memory_space<vmem>>, %arg7: memref<640x128xf32, #tpu.memory_space<vmem>>) attributes {dimension_semantics = [#tpu.dimension_semantics<arbitrary>], iteration_bounds = array<i64: 16>, scalar_prefetch = 0 : i64, scratch_operands = 0 : i64, tpu.core_type = #tpu.core_type<tc>, window_params = [{transform_indices = @transform_0, window_bounds = array<i64: 640, 128>}, {transform_indices = @transform_1, window_bounds = array<i64: 640, 128>}, {transform_indices = @transform_2, window_bounds = array<i64: 640, 128>}, {transform_indices = @transform_3, window_bounds = array<i64: 640, 128>}, {transform_indices = @transform_4, window_bounds = array<i64: 640, 128>}, {pipeline_mode = #tpu.pipeline_mode<synchronous>, transform_indices = @transform_5, window_bounds = array<i64: 1, 128>}, {transform_indices = @transform_6, window_bounds = array<i64: 640, 128>}]} {
    %get3A = arith.constant 0 : index
    %get3A_0 = arith.constant 0 : index
    %get3A_1 = vector.load %arg4[%get3A, %get3A_0] : memref<640x128xf32, #tpu.memory_space<vmem>>, vector<640x1xf32>
    %get3A_2 = arith.constant 0 : index
    %get3A_3 = arith.constant 0 : index
    %get3A_4 = vector.load %arg5[%get3A_2, %get3A_3] : memref<640x128xf32, #tpu.memory_space<vmem>>, vector<640x1xf32>
    %add3A = arith.addf %get3A_1, %get3A_4 : vector<640x1xf32>
    %add3A_5 = arith.constant 1.000000e+00 : f32
    %add3A_6 = vector.broadcast %add3A_5 : f32 to vector<640x1xf32>
    %add3A_7 = arith.addf %add3A, %add3A_6 : vector<640x1xf32>
    %rsqrt3A = math.rsqrt %add3A_7 : vector<640x1xf32>
    %get3A_8 = arith.constant 0 : index
    %get3A_9 = arith.constant 0 : index
    %get3A_10 = vector.load %arg1[%get3A_8, %get3A_9] : memref<640x128xf32, #tpu.memory_space<vmem>>, vector<640x128xf32>
    %get3A_11 = arith.constant 0 : index
    %get3A_12 = arith.constant 0 : index
    %get3A_13 = vector.load %arg2[%get3A_11, %get3A_12] : memref<640x128xf32, #tpu.memory_space<vmem>>, vector<640x128xf32>
    %add3A_14 = arith.addf %get3A_10, %get3A_13 : vector<640x128xf32>
    %get3A_15 = arith.constant 0 : index
    %get3A_16 = arith.constant 0 : index
    %get3A_17 = vector.load %arg3[%get3A_15, %get3A_16] : memref<640x128xf32, #tpu.memory_space<vmem>>, vector<640x128xf32>
    %add3A_18 = arith.addf %add3A_14, %get3A_17 : vector<640x128xf32>
    %mul3A = vector.broadcast %rsqrt3A : vector<640x1xf32> to vector<640x128xf32>
    %mul3A_19 = arith.mulf %add3A_18, %mul3A : vector<640x128xf32>
    %get3A_20 = arith.constant 0 : index
    %get3A_21 = arith.constant 0 : index
    %get3A_22 = vector.load %arg6[%get3A_20, %get3A_21] : memref<1x128xf32, #tpu.memory_space<vmem>>, vector<1x128xf32>
    %add3A_23 = vector.broadcast %get3A_22 : vector<1x128xf32> to vector<640x128xf32>
    %add3A_24 = arith.addf %mul3A_19, %add3A_23 : vector<640x128xf32>
    %swap3A = arith.constant 0 : index
    %swap3A_25 = arith.constant 0 : index
    %swap3A_26 = vector.load %arg7[%swap3A, %swap3A_25] : memref<640x128xf32, #tpu.memory_space<vmem>>, vector<640x128xf32>
    tpu.vector_store %arg7[%swap3A, %swap3A_25], %add3A_24 {strides = array<i32>} : memref<640x128xf32, #tpu.memory_space<vmem>>, vector<640x128xf32>,
    return
  }
  func.func @transform_0(%arg0: i32) -> (i32, i32) {
    %c0_i32 = arith.constant 0 : i32
    %c0_i32_0 = arith.constant 0 : i32
    return %arg0, %c0_i32 : i32, i32
  }
  func.func @transform_1(%arg0: i32) -> (i32, i32) {
    %c0_i32 = arith.constant 0 : i32
    %c0_i32_0 = arith.constant 0 : i32
    return %arg0, %c0_i32 : i32, i32
  }
  func.func @transform_2(%arg0: i32) -> (i32, i32) {
    %c0_i32 = arith.constant 0 : i32
    %c0_i32_0 = arith.constant 0 : i32
    return %arg0, %c0_i32 : i32, i32
  }
  func.func @transform_3(%arg0: i32) -> (i32, i32) {
    %c0_i32 = arith.constant 0 : i32
    %c0_i32_0 = arith.constant 0 : i32
    return %arg0, %c0_i32 : i32, i32
  }
  func.func @transform_4(%arg0: i32) -> (i32, i32) {
    %c0_i32 = arith.constant 0 : i32
    %c0_i32_0 = arith.constant 0 : i32
    return %arg0, %c0_i32 : i32, i32
  }
  func.func @transform_5(%arg0: i32) -> (i32, i32) {
    %c0_i32 = arith.constant 0 : i32
    %c0_i32_0 = arith.constant 0 : i32
    %c0_i32_1 = arith.constant 0 : i32
    return %c0_i32, %c0_i32_0 : i32, i32
  }
  func.func @transform_6(%arg0: i32) -> (i32, i32) {
    %c0_i32 = arith.constant 0 : i32
    %c0_i32_0 = arith.constant 0 : i32
    return %arg0, %c0_i32 : i32, i32
  }
}

</mosaic_0001>

<sc_bundles>
// kernel: kernel.11.cloned.1.call-start
scs
__scs_entry_jumppad:
0x0: {  	(pc) =	sbr.rel $0x88, $3  }
0x1: {  	(tag) =	ssettag $0x0;
	lr =	simm.s32 $0x1  }
0x2: {  	[smem:$0x3F9B] =	sst lr;
	_ =	strace $0xD0000000  }
0x3: {  	_ = 	snop  }
0x4: {  	_ = 	snop  }
0x5: {  	_ = 	snop  }
0x6: {  	_ = 	snop  }
0x7: {  	_ = 	snop  }
__scs_overlays_trampoline_lowered:
0x8: {  	[smem:$0x3FAA] =	sst s0  }
0x9: {  	[smem:$0x3FAB] =	sst s1  }
0xa: {  	[smem:$0x3FAC] =	sst s2  }
0xb: {  	[smem:$0x3FAD] =	sst s3  }
0xc: {  	[smem:$0x3FAE] =	sst s4  }
0xd: {  	[smem:$0x3FAF] =	sst s5  }
0xe: {  	[smem:$0x3FB0] =	sst s6  }
0xf: {  	[smem:$0x3FB1] =	sst s7  }
0x10: {  	[smem:$0x3FB2] =	sst s8  }
0x11: {  	[smem:$0x3FB3] =	sst s9;
	s0 =	simm.s32 @!p0 $0x0  }
0x12: {  	s1 =	sld [smem:$0x3F99];
	s0 =	simm.s32 @p0 $0x1  }
0x13: {  	[smem:$0x3FB4] =	sst s0;
	s0 =	simm.s32 @!p1 $0x0  }
0x14: {  	s2 =	sld [smem:$0x3F98];
	s0 =	simm.s32 @p1 $0x1  }
0x15: {  	[smem:$0x3FB5] =	sst s0;
	s0 =	simm.s32 @!p2 $0x0  }
0x16: {  	s3 =	sld [smem:$0x3FDB];
	s0 =	simm.s32 @p2 $0x1  }
0x17: {  	s4 =	simm.s32 $0x1BF5;
	[smem:$0x3FB7] =	sst s0  }
0x18: {  	s0 =	sld [smem:$0x3F9A];
	_ =	swait.ge [sflag:s4], $0x0  }
0x19: {  	s7 =	sld [smem:$0x3F9B]  }
0x1a: {  	s8 =	sadd.s32 $0xFFFFE003, lr  }
0x1b: {  	s9 =	sadd.s32 $0xFFFFFEF7, lr;
	s5 =	simm.s32 $0xFFFFFFFF;
	p2 =	slt.u32 s8, $0xFFFFF086  }
0x1c: {  	p1 =	slt.u32 s9, $0xF7A;
	s5 =	simm.s32 @!p2 $0x0  }
0x1d: {  	s5 =	simm.s32 @p1 $0x1;
	p0 =	seq.s32 s7, s2  }
0x1e: {  	s7 =	smul.u32 @!p0 $0xF7A, s2;
	p2 =	seq.s32 @!p0 s5, $0x0  }
0x1f: {  	s9 =	smul.u32 $0xF7A, s1;
	s8 =	simm.s32 @!p0 $0x1BF5;
	p2 =	por !p2, p0  }
0x20: {  	[sflag:s8] =	ssyncset.s32 @!p0 $0xFFFFF086;
	s6 =	sadd.s32 @!p0 s3, s7;
	s7 =	simm.s32 @!p0 $0x108  }
0x21: {  	s3 =	sadd.s32 s3, s9;
	s6 =	sadd.s32 @!p0 $0x88, s6;
	s7 =	simm.s32 @p2 $0x1082  }
0x22: {  	[simem:s7], [sflag:s8] =	dma.local @!p0 [hbm:s6], $0xF7A  }
0x23: {  	s9 =	sor.u32 $0xD0000000, s2;
	s6 =	simm.s32 $0x108;
	_ =	swait.ge @!p0 [sflag:s8], $0x0  }
0x24: {  	s3 =	sadd.s32 $0x88, s3;
	s6 =	simm.s32 @!p1 $0x1082;
	[sflag:s4] =	ssyncset.s32 $0xFFFFF086  }
0x25: {  	[simem:s6], [sflag:s4] =	dma.local [hbm:s3], $0xF7A  }
0x26: {  	[smem:$0x3F9B] =	sst s1;
	(tag) =	ssettag s2;
	_ =	strace s9  }
0x27: {  	s1 =	sld [smem:$0x3FAB]  }
0x28: {  	s2 =	sld [smem:$0x3FAC]  }
0x29: {  	s4 =	sld [smem:$0x3FAE]  }
0x2a: {  	p0 =	seq.s32 s5, $0x0;
	s5 =	sld [smem:$0x3FAF]  }
0x2b: {  	s6 =	sld [smem:$0x3FB0]  }
0x2c: {  	s7 =	sld [smem:$0x3FB1]  }
0x2d: {  	s3 =	simm.s32 $0x108;
	s8 =	sld [smem:$0x3FB2]  }
0x2e: {  	s3 =	simm.s32 @!p0 $0x1082;
	s9 =	sld [smem:$0x3FB3]  }
0x2f: {  	lr =	sadd.s32 s0, s3;
	s0 =	sld [smem:$0x3FAA]  }
0x30: {  	s3 =	sld [smem:$0x3FAD]  }
0x31: {  	[smem:$0x3FB6] =	sst s10  }
0x32: {  	s10 =	sld [smem:$0x3FB4];
	_ =	sdelay $0x3  }
0x33: {  	p0 =	seq.s32 s10, $0x1;
	s10 =	sld [smem:$0x3FB6];
	_ =	sdelay $0x3  }
0x34: {  	[smem:$0x3FB6] =	sst s10  }
0x35: {  	s10 =	sld [smem:$0x3FB5];
	_ =	sdelay $0x3  }
0x36: {  	p1 =	seq.s32 s10, $0x1;
	s10 =	sld [smem:$0x3FB6];
	_ =	sdelay $0x3  }
0x37: {  	[smem:$0x3FB6] =	sst s10  }
0x38: {  	s10 =	sld [smem:$0x3FB7]  }
0x39: {  	_ = 	snop;
	(pc) =	sbr.ind lr, $3  }
0x3a: {  	_ = 	snop  }
0x3b: {  	_ = 	snop  }
0x3c: {  	p2 =	seq.s32 s10, $0x1;
	s10 =	sld [smem:$0x3FB6]  }
0x3d: {  	_ =	shalt  }
0x3e: {  	_ =	shalt  }
0x3f: {  	_ =	shalt  }
0x40: {  	_ =	shalt  }
0x41: {  	_ =	shalt  }
0x42: {  	_ =	shalt  }
0x43: {  	_ =	shalt  }
0x44: {  	_ =	shalt  }
0x45: {  	_ =	shalt  }
0x46: {  	_ =	shalt  }
0x47: {  	_ =	shalt  }
0x48: {  	_ =	shalt  }
0x49: {  	_ =	shalt  }
0x4a: {  	_ =	shalt  }
0x4b: {  	_ =	shalt  }
0x4c: {  	_ =	shalt  }
0x4d: {  	_ =	shalt  }
0x4e: {  	_ =	shalt  }
0x4f: {  	_ =	shalt  }
0x50: {  	_ =	shalt  }
0x51: {  	_ =	shalt  }
0x52: {  	_ =	shalt  }
0x53: {  	_ =	shalt  }
0x54: {  	_ =	shalt  }
0x55: {  	_ =	shalt  }
0x56: {  	_ =	shalt  }
0x57: {  	_ =	shalt  }
0x58: {  	_ =	shalt  }
0x59: {  	_ =	shalt  }
0x5a: {  	_ =	shalt  }
0x5b: {  	_ =	shalt  }
0x5c: {  	_ =	shalt  }
0x5d: {  	_ =	shalt  }
0x5e: {  	_ =	shalt  }
0x5f: {  	_ =	shalt  }
0x60: {  	_ =	shalt  }
0x61: {  	_ =	shalt  }
0x62: {  	_ =	shalt  }
0x63: {  	_ =	shalt  }
0x64: {  	_ =	shalt  }
0x65: {  	_ =	shalt  }
0x66: {  	_ =	shalt  }
0x67: {  	_ =	shalt  }
0x68: {  	_ =	shalt  }
0x69: {  	_ =	shalt  }
0x6a: {  	_ =	shalt  }
0x6b: {  	_ =	shalt  }
0x6c: {  	_ =	shalt  }
0x6d: {  	_ =	shalt  }
0x6e: {  	_ =	shalt  }
0x6f: {  	_ =	shalt  }
0x70: {  	_ =	shalt  }
0x71: {  	_ =	shalt  }
0x72: {  	_ =	shalt  }
0x73: {  	_ =	shalt  }
0x74: {  	_ =	shalt  }
0x75: {  	_ =	shalt  }
0x76: {  	_ =	shalt  }
0x77: {  	_ =	shalt  }
0x78: {  	_ =	shalt  }
0x79: {  	_ =	shalt  }
0x7a: {  	_ =	shalt  }
0x7b: {  	_ =	shalt  }
0x7c: {  	_ =	shalt  }
0x7d: {  	_ =	shalt  }
0x7e: {  	_ =	shalt  }
0x7f: {  	_ =	shalt  }
0x80: {  	_ =	shalt  }
0x81: {  	_ =	shalt  }
0x82: {  	_ =	shalt  }
0x83: {  	_ =	shalt  }
0x84: {  	_ =	shalt  }
0x85: {  	_ =	shalt  }
0x86: {  	_ =	shalt  }
0x87: {  	_ =	shalt  }
.Lfunc_end0:
.L_simem_size_0:
called_computation.1_lowered:
.L_overlay_start_0:
0x88: {  	s2 =	sld [smem:$0x3FD9]  }
0x89: {  	s3 =	sld [smem:$0x3FFE];
	_ =	sdelay $0x1  }
0x8a: {  	s1 =	srdreg.scid  }
0x8b: {  	s0 =	sand.u32 $0x1, s1  }
0x8c: {  	s17 =	sshll.u32 s0, $0xA;
	s2 =	sadd.s32 s3, s2  }
0x8d: {  	s2 =	sadd.s32 s2, s17  }
0x8e: {  	[smem:$0x3FC2] =	sst s2  }
0x8f: {  	_ = 	snop  }
0x90: {  	s2 =	sld [smem:$0x3FD0];
	(tm) =	ssettm $0x1  }
0x91: {  	s18 =	sld [smem:$0x3FFB];
	_ =	sdelay $0x3  }
0x92: {  	_ =	strace s18  }
0x93: {  	s3 =	sld [smem:$0x3FFC];
	_ =	sdelay $0x3  }
0x94: {  	_ =	strace s3  }
0x95: {  	s3 =	sld [smem:$0x3FFD];
	_ =	sdelay $0x3  }
0x96: {  	_ =	strace s3  }
0x97: {  	_ =	strace $0x8FFFFFFF  }
0x98: {  	s19 =	sld [smem:$0x3FDB];
	_ =	sdelay $0x1  }
0x99: {  	s4 =	simm.s32 $_scs_section_size  }
0x9a: {  	s5 =	simm.s32 $_size__tile_overlayer_lowered;
	s6 =	simm.s32 $_tile_overlayer_lowered  }
0x9b: {  	s22 =	simm.s32 $0x1BFF;
	s21 =	sshll.u32 s6, $0x1;
	s3 =	sadd.s32 s4, s19  }
0x9c: {  	s7 =	simm.s32 $0x0;
	s20 =	sshll.u32 s5, $0x1;
	s5 =	sadd.s32 s21, s3  }
0x9d: {  	[timem:s7], [sflag:s22] =	dma.local [hbm:s5], s20  }
0x9e: {  	_ =	swait.ge [sflag:s22], s20  }
0x9f: {  	s4 =	ssub.s32 $0x0, s20;
	[sflag:s22] =	ssyncset.done $0x0  }
0xa0: {  	[sflag:s22] =	ssyncadd.s32 s4;
	_ =	sdelay $0x1  }
0xa1: {  	s23 =	simm.s32 $0x1B8B  }
0xa2: {  	_ =	swait.ge [sflag:s23], $0x1  }
0xa3: {  	[sflag:s23] =	ssyncset.done $0x0  }
0xa4: {  	s25 =	simm.s32 $0x1B8E;
	s24 =	sld [smem:$0x3FFE];
	[sflag:s23] =	ssyncadd.s32 $0xFFFFFFFF  }
0xa5: {  	s26 =	simm.s32 $execute0_lowered;
	[smem:$0x3FD2] =	sst s25  }
0xa6: {  	s5 =	sshll.u32 s26, $0x1;
	_ =	strace $0x80000049;
	[dreg:$0x1] =	wrdreg $0xFFFFFFFF  }
0xa7: {  	s28 =	simm.s32 $_size_execute0_lowered;
	s3 =	sadd.s32 s3, s5;
	[dreg:$0x0] =	wrdreg $0x0  }
0xa8: {  	s5 =	sshll.u32 s28, $0x1;
	[dreg:$0x2] =	wrdreg s3  }
0xa9: {  	[dreg:$0x3] =	wrdreg s5  }
0xaa: {  	[dreg:$0x4] =	wrdreg $0xC0  }
0xab: {  	_ =	task [dreg:s7], $0x5FFFF  }
0xac: {  	[dreg:$0x1] =	wrdreg $0xFFFFFFFF  }
0xad: {  	[dreg:$0x0] =	wrdreg $0x60  }
0xae: {  	[dreg:$0x2] =	wrdreg s2  }
0xaf: {  	[dreg:$0x3] =	wrdreg s24  }
0xb0: {  	[dreg:$0x4] =	wrdreg $0x90000  }
0xb1: {  	[dreg:$0x5] =	wrdreg $0x9  }
0xb2: {  	_ =	task.clear_ibuf [dreg:s7], $0x6FFFF;
	_ =	strace $0x90000049  }
0xb3: {  	s29 =	simm.s32 $0x9;
	_ =	strace $0x8000004B  }
0xb4: {  	_ =	swait.ge [sflag:s29], $0x1  }
0xb5: {  	[sflag:s29] =	ssyncadd.s32 $0xFFFFFFFF  }
0xb6: {  	_ =	strace $0x9000004B  }
0xb7: {  	_ =	sfence  }
0xb8: {  	s30 =	sld [smem:$0x0];
	_ =	sdelay $0x2  }
0xb9: {  	s31 =	sshll.u32 s1, $0xD;
	s1 =	sshrl.u32 s1, $0x2  }
0xba: {  	s3 =	sand.u32 $0x4000, s31;
	s1 =	sadd.s32 s1, s30  }
0xbb: {  	s0 =	sor.u32 s3, s0;
	s1 =	sshll.u32 s1, $0x11  }
0xbc: {  	s0 =	sor.u32 s1, s0  }
0xbd: {  	s0 =	sadd.s32 $0x8F2B, s0  }
0xbe: {  	[sflag:s0] =	ssyncadd.remote.s32 $0x1  }
0xbf: {  	_ =	sfence.sel $0xFFFF  }
0xc0: {  	[dreg:$0x0] =	wrdreg $0xFFFFFFFF;
	(pc) =	sbr.abs _section_cstart, $3  }
0xc1: {  	[dreg:$0x1] =	wrdreg $0xFFFFFFFF  }
0xc2: {  	_ =	task.clear_ibuf [dreg:s7], $0x2FFFF;
	_ =	strace $0x9FFFFFFF  }
0xc3: {  	(tm) =	ssettm $0x7FFFFFFF  }
tec
execute0_lowered:
.L_overlay_start_1:
0x0: {  	(tag) =	ssettag $0x1  }
0x1: {  	s6 =	rddreg [dreg:$0x0]  }
0x2: {  	s7 =	rddreg [dreg:$0x1]  }
0x3: {  	s0 =	srdreg.scid;
	s2 =	rddreg [dreg:$0x2];
	s3 =	simm.s32 $0x0  }
0x4: {  	s24 =	simm.s32 $0x2800;
	s25 =	simm.s32 $0x80;
	s26 =	simm.s32 $0x1  }
0x5: {  	s28 =	simm.s32 $0x0;
	s5 =	sand.u32 $0x1, s0;
	s0 =	stileid.u32  }
0x6: {  	[smem:$0x7FF] =	sst s3;
	s21 =	sadd.s32 $0x84C00, s7;
	s10 =	smul.u32 $0x50000, s0  }
0x7: {  	s1 =	sshll.u32 s5, $0x4;
	_ =	strace $0x8000004A;
	s18 =	smul.u32 $0x140000, s5  }
0x8: {  	s30 =	ssub.s32 $0x2, s5;
	s17 =	smul.u32 $0x14000, s0;
	s4 =	sor.u32 s0, s1  }
0x9: {  	s11 =	sshrl.u32 s30, $0x1;
	s8 =	smul.u32 $0x500, s4;
	s4 =	sadd.s32 $0x5CC00, s7  }
0xa: {  	s10 =	sshrl.u32 s10, $0x2;
	s11 =	ssub.s32 s30, s11;
	s12 =	sadd.s32 s18, s17  }
0xb: {  	s14 =	sadd.s32 $0x4000, s17;
	s19 =	sadd.s32 $0x8000, s17;
	s20 =	sadd.s32 $0xC000, s17  }
0xc: {  	s22 =	sadd.s32 $0x10000, s17;
	s5 =	sadd.s32 s10, s2;
	s13 =	sshrl.u32 s12, $0x3  }
0xd: {  	s15 =	sadd.s32 s18, s14;
	s14 =	sadd.s32 s14, s2;
	s16 =	sadd.s32 s19, s2  }
0xe: {  	s19 =	sadd.s32 s18, s19;
	s31 =	sadd.s32 s18, s20;
	s23 =	sadd.s32 s18, s22  }
0xf: {  	s18 =	sadd.s32 s20, s2;
	s20 =	sadd.s32 s22, s2;
	s22 =	simm.s32 $0x5000  }
0x10: {  	s9 =	sadd.s32 s8, s7;
	s6 =	sadd.s32 s6, s8;
	s8 =	smax.u32 s11, $0x1  }
0x11: {  	s10 =	sadd.s32 $0x8000, s5;
	s11 =	sadd.s32 $0xC000, s5;
	s12 =	sadd.s32 $0x10000, s5  }
0x12: {  	s13 =	sadd.s32 s21, s13;
	s15 =	sshrl.u32 s15, $0x3;
	s19 =	sshrl.u32 s19, $0x3  }
0x13: {  	s23 =	sshrl.u32 s23, $0x3;
	s7 =	sadd.s32 $0x2C00, s9;
	s9 =	sadd.s32 $0x4000, s5  }
0x14: {  	s15 =	sadd.s32 s21, s15;
	s17 =	sadd.s32 s21, s19;
	s19 =	sshrl.u32 s31, $0x3  }
0x15: {  	v0 =	vimm.f32 $0.0e+00;
	s19 =	sadd.s32 s21, s19;
	s21 =	sadd.s32 s21, s23;
	s23 =	simm.s32 $0x2  }
.LBB2_1:
0x16: {  	s29 =	simm.s32 $0x0;
	s30 =	simm.s32 $0x200  }
.LBB2_2:
0x17: {  	p0 =	sne.s32 s30, $0xFE00;
	[tilespmem:s29+$0x5070] =	vst v0  }
0x18: {  	[tilespmem:s29+$0x5000] =	vst v0  }
0x19: {  	[tilespmem:s29+$0x5010] =	vst v0  }
.Ltmp0:
0x1a: {  	[tilespmem:s29+$0x5020] =	vst v0;
	(pc) =	sbr.rel @p0 .LBB2_2-.Ltmp0, $4  }
0x1b: {  	[tilespmem:s29+$0x5030] =	vst v0  }
0x1c: {  	[tilespmem:s29+$0x5040] =	vst v0  }
0x1d: {  	[tilespmem:s29+$0x5050] =	vst v0  }
0x1e: {  	[tilespmem:s29+$0x5060] =	vst v0;
	s29 =	sshra.s32 s30, $0x2;
	s30 =	sadd.s32 $0x200, s30  }
0x1f: {  	[tilespmem:s29+$0x5070] =	vst v0  }
0x20: {  	[tilespmem:s29+$0x5000] =	vst v0  }
0x21: {  	[tilespmem:s29+$0x5010] =	vst v0  }
0x22: {  	[tilespmem:s29+$0x5020] =	vst v0  }
0x23: {  	[tilespmem:s29+$0x5030] =	vst v0  }
0x24: {  	[tilespmem:s29+$0x5040] =	vst v0  }
0x25: {  	[tilespmem:s29+$0x5050] =	vst v0  }
0x26: {  	[tilespmem:s29+$0x5060] =	vst v0  }
0x27: {  	[spmem:s5] =	stream.linear.scatter [tilespmem:s22], [sflag:$0x2], $0x4000, $0x38;
	[tilespmem:$0x1D000] =	vst v63  }
0x28: {  	_ =	swait.ge [sflag:s23], $0x4000  }
0x29: {  	[sflag:s23] =	ssyncset.done $0x0  }
0x2a: {  	[sflag:s23] =	ssyncadd.s32 $0xFFFFC000  }
0x2b: {  	[spmem:s9] =	stream.linear.scatter [tilespmem:s22], [sflag:$0x2], $0x4000, $0x38;
	[tilespmem:$0x1D000] =	vst v63  }
0x2c: {  	_ =	swait.ge [sflag:s23], $0x4000  }
0x2d: {  	[sflag:s23] =	ssyncset.done $0x0  }
0x2e: {  	[sflag:s23] =	ssyncadd.s32 $0xFFFFC000  }
0x2f: {  	[spmem:s10] =	stream.linear.scatter [tilespmem:s22], [sflag:$0x2], $0x4000, $0x38;
	[tilespmem:$0x1D000] =	vst v63  }
0x30: {  	_ =	swait.ge [sflag:s23], $0x4000  }
0x31: {  	[sflag:s23] =	ssyncset.done $0x0  }
0x32: {  	[sflag:s23] =	ssyncadd.s32 $0xFFFFC000  }
0x33: {  	[spmem:s11] =	stream.linear.scatter [tilespmem:s22], [sflag:$0x2], $0x4000, $0x38;
	[tilespmem:$0x1D000] =	vst v63  }
0x34: {  	_ =	swait.ge [sflag:s23], $0x4000  }
0x35: {  	[sflag:s23] =	ssyncset.done $0x0  }
0x36: {  	[sflag:s23] =	ssyncadd.s32 $0xFFFFC000  }
0x37: {  	[spmem:s12] =	stream.linear.scatter [tilespmem:s22], [sflag:$0x2], $0x4000, $0x38;
	[tilespmem:$0x1D000] =	vst v63  }
0x38: {  	_ =	swait.ge [sflag:s23], $0x4000  }
0x39: {  	[sflag:s23] =	ssyncset.done $0x0  }
0x3a: {  	[sflag:s23] =	ssyncadd.s32 $0xFFFFC000  }
0x3b: {  	s29 =	simm.s32 $0x0;
	[bflag:$0x0] =	sbarrier.arrive $0xFFFF  }
0x3c: {  	[tilespmem:s29], [sflag:$0x2] =	stream.linear.gather [hbm4b:s6+s29], $0x2780, $0x38;
	[tilespmem:$0x1D000] =	vst v63  }
0x3d: {  	_ =	swait.ge [sflag:s23], $0x2780  }
0x3e: {  	[sflag:s23] =	ssyncset.done $0x0  }
0x3f: {  	[sflag:s23] =	ssyncadd.s32 $0xFFFFD880  }
0x40: {  	[tilespmem:s24], [sflag:$0x2] =	stream.linear.gather [hbm4b:s7+s29], $0x2780, $0x38;
	[tilespmem:$0x1D000] =	vst v63  }
0x41: {  	_ =	swait.ge [sflag:s23], $0x2780  }
0x42: {  	[sflag:s23] =	ssyncset.done $0x0  }
0x43: {  	s29 =	simm.s32 $0x0;
	[sflag:s23] =	ssyncadd.s32 $0xFFFFD880  }
0x44: {  	[tilespmem:s22], [sflag:$0x1] =	stream.indirect.gather [hbm4b:s4+s25], $0x80, s29, s25, $0xb8;
	[tilespmem:$0x1D000] =	vst v63  }
0x45: {  	_ =	swait.ge [sflag:s26], $0x4000  }
0x46: {  	[sflag:s26] =	ssyncset.done $0x0  }
0x47: {  	s29 =	simm.s32 $0x2800;
	[sflag:s26] =	ssyncadd.s32 $0xFFFFC000  }
0x48: {  	[spmem:s2] =	stream.indirect.scatter.add.f32 [tilespmem:s22], [sflag:$0x2], $0x80, s29, s25, $0xb8;
	[tilespmem:$0x1D000] =	vst v63  }
0x49: {  	_ =	swait.ge [sflag:s23], $0x4000  }
0x4a: {  	s30 =	simm.s32 $0x400;
	s29 =	simm.s32 $0x200;
	[sflag:s23] =	ssyncset.done $0x0  }
.LBB2_4:
0x4b: {  	s31 =	sshra.s32 s29, $0x2  }
0x4c: {  	[sflag:s23] =	ssyncadd.s32 $0xFFFFC000;
	s29 =	smov.u32 s30;
	s1 =	sadd.s32 $0x200, s30  }
0x4d: {  	[tilespmem:s22], [sflag:$0x1] =	stream.indirect.gather [hbm4b:s4+s25], $0x80, s31, s25, $0xb8;
	[tilespmem:$0x1D000] =	vst v63  }
0x4e: {  	p0 =	sne.s32 s30, $0x9C00;
	_ =	swait.ge [sflag:s26], $0x4000  }
.Ltmp1:
0x4f: {  	[sflag:s26] =	ssyncset.done $0x0;
	(pc) =	sbr.rel @p0 .LBB2_4-.Ltmp1, $4  }
0x50: {  	s30 =	sadd.s32 $0x2800, s31;
	[sflag:s26] =	ssyncadd.s32 $0xFFFFC000  }
0x51: {  	[spmem:s2] =	stream.indirect.scatter.add.f32 [tilespmem:s22], [sflag:$0x2], $0x80, s30, s25, $0xb8;
	[tilespmem:$0x1D000] =	vst v63  }
0x52: {  	_ =	swait.ge [sflag:s23], $0x4000  }
0x53: {  	s30 =	smov.u32 s1;
	[sflag:s23] =	ssyncset.done $0x0  }
0x54: {  	s1 =	sshra.s32 s29, $0x2;
	[sflag:s23] =	ssyncadd.s32 $0xFFFFC000  }
0x55: {  	[tilespmem:s22], [sflag:$0x1] =	stream.indirect.gather [hbm4b:s4+s25], $0x80, s1, s25, $0xb8;
	[tilespmem:$0x1D000] =	vst v63  }
0x56: {  	_ =	swait.ge [sflag:s26], $0x4000  }
0x57: {  	[sflag:s26] =	ssyncset.done $0x0  }
0x58: {  	s1 =	sadd.s32 $0x2800, s1;
	[sflag:s26] =	ssyncadd.s32 $0xFFFFC000  }
0x59: {  	[spmem:s2] =	stream.indirect.scatter.add.f32 [tilespmem:s22], [sflag:$0x2], $0x80, s1, s25, $0xb8;
	[tilespmem:$0x1D000] =	vst v63  }
0x5a: {  	_ =	swait.ge [sflag:s23], $0x4000  }
0x5b: {  	[sflag:s23] =	ssyncset.done $0x0  }
0x5c: {  	[sflag:s23] =	ssyncadd.s32 $0xFFFFC000  }
0x5d: {  	[bflag:$0x0] =	sbarrier.arrive $0xFFFF  }
0x5e: {  	[tilespmem:s22], [sflag:$0x2] =	stream.linear.gather [spmem:s5], $0x4000, $0x38;
	[tilespmem:$0x1D000] =	vst v63  }
0x5f: {  	_ =	swait.ge [sflag:s23], $0x4000  }
0x60: {  	[sflag:s23] =	ssyncset.done $0x0  }
0x61: {  	[sflag:s23] =	ssyncadd.s32 $0xFFFFC000  }
0x62: {  	[hbm4b:s13+s3] =	stream.linear.scatter [tilespmem:s22], [sflag:$0x2], $0x4000, $0x38;
	[tilespmem:$0x1D000] =	vst v63  }
0x63: {  	_ =	swait.ge [sflag:s23], $0x4000  }
0x64: {  	[sflag:s23] =	ssyncset.done $0x0  }
0x65: {  	[sflag:s23] =	ssyncadd.s32 $0xFFFFC000  }
0x66: {  	[tilespmem:s22], [sflag:$0x2] =	stream.linear.gather [spmem:s14], $0x4000, $0x38;
	[tilespmem:$0x1D000] =	vst v63  }
0x67: {  	_ =	swait.ge [sflag:s23], $0x4000  }
0x68: {  	[sflag:s23] =	ssyncset.done $0x0  }
0x69: {  	[sflag:s23] =	ssyncadd.s32 $0xFFFFC000  }
0x6a: {  	[hbm4b:s15+s3] =	stream.linear.scatter [tilespmem:s22], [sflag:$0x2], $0x4000, $0x38;
	[tilespmem:$0x1D000] =	vst v63  }
0x6b: {  	_ =	swait.ge [sflag:s23], $0x4000  }
0x6c: {  	[sflag:s23] =	ssyncset.done $0x0  }
0x6d: {  	[sflag:s23] =	ssyncadd.s32 $0xFFFFC000  }
0x6e: {  	[tilespmem:s22], [sflag:$0x2] =	stream.linear.gather [spmem:s16], $0x4000, $0x38;
	[tilespmem:$0x1D000] =	vst v63  }
0x6f: {  	_ =	swait.ge [sflag:s23], $0x4000  }
0x70: {  	[sflag:s23] =	ssyncset.done $0x0  }
0x71: {  	[sflag:s23] =	ssyncadd.s32 $0xFFFFC000  }
0x72: {  	[hbm4b:s17+s3] =	stream.linear.scatter [tilespmem:s22], [sflag:$0x2], $0x4000, $0x38;
	[tilespmem:$0x1D000] =	vst v63  }
0x73: {  	_ =	swait.ge [sflag:s23], $0x4000  }
0x74: {  	[sflag:s23] =	ssyncset.done $0x0  }
0x75: {  	[sflag:s23] =	ssyncadd.s32 $0xFFFFC000  }
0x76: {  	[tilespmem:s22], [sflag:$0x2] =	stream.linear.gather [spmem:s18], $0x4000, $0x38;
	[tilespmem:$0x1D000] =	vst v63  }
0x77: {  	_ =	swait.ge [sflag:s23], $0x4000  }
0x78: {  	[sflag:s23] =	ssyncset.done $0x0  }
0x79: {  	[sflag:s23] =	ssyncadd.s32 $0xFFFFC000  }
0x7a: {  	[hbm4b:s19+s3] =	stream.linear.scatter [tilespmem:s22], [sflag:$0x2], $0x4000, $0x38;
	[tilespmem:$0x1D000] =	vst v63  }
0x7b: {  	_ =	swait.ge [sflag:s23], $0x4000  }
0x7c: {  	[sflag:s23] =	ssyncset.done $0x0  }
0x7d: {  	[sflag:s23] =	ssyncadd.s32 $0xFFFFC000  }
0x7e: {  	[tilespmem:s22], [sflag:$0x2] =	stream.linear.gather [spmem:s20], $0x4000, $0x38;
	[tilespmem:$0x1D000] =	vst v63  }
0x7f: {  	s28 =	sadd.s32 $0x1, s28;
	_ =	swait.ge [sflag:s23], $0x4000  }
0x80: {  	p0 =	sne.s32 s28, s8;
	[sflag:s23] =	ssyncset.done $0x0  }
.Ltmp2:
0x81: {  	[sflag:s23] =	ssyncadd.s32 $0xFFFFC000;
	(pc) =	sbr.rel @p0 .LBB2_1-.Ltmp2, $4  }
0x82: {  	[hbm4b:s21+s3] =	stream.linear.scatter [tilespmem:s22], [sflag:$0x2], $0x4000, $0x38;
	[tilespmem:$0x1D000] =	vst v63  }
0x83: {  	_ =	swait.ge [sflag:s23], $0x4000  }
0x84: {  	[sflag:s23] =	ssyncset.done $0x0  }
0x85: {  	[sflag:s23] =	ssyncadd.s32 $0xFFFFC000  }
0x86: {  	_ =	sfence.sel $0x180000  }
0x87: {  	[bflag:$0x0] =	sbarrier.arrive $0xFFFF  }
0x88: {  	_ =	strace $0x9000004A  }
0x89: {  	[bflag:$0x2] =	sbarrier.arrive $0xFFFF  }
0x8a: {  	p0 =	sne.s32 s0, $0x0;
	s0 =	rddreg [dreg:$0x3]  }
0x8b: {  	s0 =	sadd.s32 @!p0 $0x100000, s0  }
0x8c: {  	[sflag:s0] =	ssyncadd.tile.s32 @!p0 $0x1;
	_ =	shalt  }
.Lfunc_end2:
_tile_overlayer_lowered:
.L_overlay_start_2:
0x8d: {  	(tag) =	ssettag $0x2  }
0x8e: {  	s0 =	rddreg [dreg:$0x0];
	s2 =	stileid.u32  }
0x8f: {  	s1 =	rddreg [dreg:$0x1];
	p0 =	sne.s32 s2, $0x0  }
0x90: {  	s3 =	rddreg [dreg:$0x2];
	[bflag:$0x3] =	sbarrier.arrive $0xFFFF;
	s2 =	simm.s32 @!p0 $0x1C02  }
0x91: {  	[timem:s3], [sflag:s2] =	dma.local @!p0 [hbm:s0], s1  }
0x92: {  	s0 =	simm.s32 @!p0 $0x2  }
0x93: {  	_ =	swait.ge @!p0 [sflag:s0], s1  }
0x94: {  	s1 =	ssub.s32 @!p0 $0x0, s1;
	[sflag:s0] =	ssyncset.done @!p0 $0x0  }
0x95: {  	[sflag:s0] =	ssyncadd.s32 @!p0 s1  }
0x96: {  	[bflag:$0x3] =	sbarrier.arrive $0xFFFF  }
0x97: {  	_ =	shalt  }

// kernel: kernel.14.cloned.1.call-start
scs
__scs_entry_jumppad:
0x0: {  	(pc) =	sbr.rel $0x88, $3  }
0x1: {  	(tag) =	ssettag $0x0;
	lr =	simm.s32 $0x1  }
0x2: {  	[smem:$0x3F9B] =	sst lr;
	_ =	strace $0xD0000000  }
0x3: {  	_ = 	snop  }
0x4: {  	_ = 	snop  }
0x5: {  	_ = 	snop  }
0x6: {  	_ = 	snop  }
0x7: {  	_ = 	snop  }
__scs_overlays_trampoline_lowered:
0x8: {  	[smem:$0x3FAA] =	sst s0  }
0x9: {  	[smem:$0x3FAB] =	sst s1  }
0xa: {  	[smem:$0x3FAC] =	sst s2  }
0xb: {  	[smem:$0x3FAD] =	sst s3  }
0xc: {  	[smem:$0x3FAE] =	sst s4  }
0xd: {  	[smem:$0x3FAF] =	sst s5  }
0xe: {  	[smem:$0x3FB0] =	sst s6  }
0xf: {  	[smem:$0x3FB1] =	sst s7  }
0x10: {  	[smem:$0x3FB2] =	sst s8  }
0x11: {  	[smem:$0x3FB3] =	sst s9;
	s0 =	simm.s32 @!p0 $0x0  }
0x12: {  	s1 =	sld [smem:$0x3F99];
	s0 =	simm.s32 @p0 $0x1  }
0x13: {  	[smem:$0x3FB4] =	sst s0;
	s0 =	simm.s32 @!p1 $0x0  }
0x14: {  	s2 =	sld [smem:$0x3F98];
	s0 =	simm.s32 @p1 $0x1  }
0x15: {  	[smem:$0x3FB5] =	sst s0;
	s0 =	simm.s32 @!p2 $0x0  }
0x16: {  	s3 =	sld [smem:$0x3FDB];
	s0 =	simm.s32 @p2 $0x1  }
0x17: {  	s4 =	simm.s32 $0x1BF5;
	[smem:$0x3FB7] =	sst s0  }
0x18: {  	s0 =	sld [smem:$0x3F9A];
	_ =	swait.ge [sflag:s4], $0x0  }
0x19: {  	s7 =	sld [smem:$0x3F9B]  }
0x1a: {  	s8 =	sadd.s32 $0xFFFFE003, lr  }
0x1b: {  	s9 =	sadd.s32 $0xFFFFFEF7, lr;
	s5 =	simm.s32 $0xFFFFFFFF;
	p2 =	slt.u32 s8, $0xFFFFF086  }
0x1c: {  	p1 =	slt.u32 s9, $0xF7A;
	s5 =	simm.s32 @!p2 $0x0  }
0x1d: {  	s5 =	simm.s32 @p1 $0x1;
	p0 =	seq.s32 s7, s2  }
0x1e: {  	s7 =	smul.u32 @!p0 $0xF7A, s2;
	p2 =	seq.s32 @!p0 s5, $0x0  }
0x1f: {  	s9 =	smul.u32 $0xF7A, s1;
	s8 =	simm.s32 @!p0 $0x1BF5;
	p2 =	por !p2, p0  }
0x20: {  	[sflag:s8] =	ssyncset.s32 @!p0 $0xFFFFF086;
	s6 =	sadd.s32 @!p0 s3, s7;
	s7 =	simm.s32 @!p0 $0x108  }
0x21: {  	s3 =	sadd.s32 s3, s9;
	s6 =	sadd.s32 @!p0 $0x88, s6;
	s7 =	simm.s32 @p2 $0x1082  }
0x22: {  	[simem:s7], [sflag:s8] =	dma.local @!p0 [hbm:s6], $0xF7A  }
0x23: {  	s9 =	sor.u32 $0xD0000000, s2;
	s6 =	simm.s32 $0x108;
	_ =	swait.ge @!p0 [sflag:s8], $0x0  }
0x24: {  	s3 =	sadd.s32 $0x88, s3;
	s6 =	simm.s32 @!p1 $0x1082;
	[sflag:s4] =	ssyncset.s32 $0xFFFFF086  }
0x25: {  	[simem:s6], [sflag:s4] =	dma.local [hbm:s3], $0xF7A  }
0x26: {  	[smem:$0x3F9B] =	sst s1;
	(tag) =	ssettag s2;
	_ =	strace s9  }
0x27: {  	s1 =	sld [smem:$0x3FAB]  }
0x28: {  	s2 =	sld [smem:$0x3FAC]  }
0x29: {  	s4 =	sld [smem:$0x3FAE]  }
0x2a: {  	p0 =	seq.s32 s5, $0x0;
	s5 =	sld [smem:$0x3FAF]  }
0x2b: {  	s6 =	sld [smem:$0x3FB0]  }
0x2c: {  	s7 =	sld [smem:$0x3FB1]  }
0x2d: {  	s3 =	simm.s32 $0x108;
	s8 =	sld [smem:$0x3FB2]  }
0x2e: {  	s3 =	simm.s32 @!p0 $0x1082;
	s9 =	sld [smem:$0x3FB3]  }
0x2f: {  	lr =	sadd.s32 s0, s3;
	s0 =	sld [smem:$0x3FAA]  }
0x30: {  	s3 =	sld [smem:$0x3FAD]  }
0x31: {  	[smem:$0x3FB6] =	sst s10  }
0x32: {  	s10 =	sld [smem:$0x3FB4];
	_ =	sdelay $0x3  }
0x33: {  	p0 =	seq.s32 s10, $0x1;
	s10 =	sld [smem:$0x3FB6];
	_ =	sdelay $0x3  }
0x34: {  	[smem:$0x3FB6] =	sst s10  }
0x35: {  	s10 =	sld [smem:$0x3FB5];
	_ =	sdelay $0x3  }
0x36: {  	p1 =	seq.s32 s10, $0x1;
	s10 =	sld [smem:$0x3FB6];
	_ =	sdelay $0x3  }
0x37: {  	[smem:$0x3FB6] =	sst s10  }
0x38: {  	s10 =	sld [smem:$0x3FB7]  }
0x39: {  	_ = 	snop;
	(pc) =	sbr.ind lr, $3  }
0x3a: {  	_ = 	snop  }
0x3b: {  	_ = 	snop  }
0x3c: {  	p2 =	seq.s32 s10, $0x1;
	s10 =	sld [smem:$0x3FB6]  }
0x3d: {  	_ =	shalt  }
0x3e: {  	_ =	shalt  }
0x3f: {  	_ =	shalt  }
0x40: {  	_ =	shalt  }
0x41: {  	_ =	shalt  }
0x42: {  	_ =	shalt  }
0x43: {  	_ =	shalt  }
0x44: {  	_ =	shalt  }
0x45: {  	_ =	shalt  }
0x46: {  	_ =	shalt  }
0x47: {  	_ =	shalt  }
0x48: {  	_ =	shalt  }
0x49: {  	_ =	shalt  }
0x4a: {  	_ =	shalt  }
0x4b: {  	_ =	shalt  }
0x4c: {  	_ =	shalt  }
0x4d: {  	_ =	shalt  }
0x4e: {  	_ =	shalt  }
0x4f: {  	_ =	shalt  }
0x50: {  	_ =	shalt  }
0x51: {  	_ =	shalt  }
0x52: {  	_ =	shalt  }
0x53: {  	_ =	shalt  }
0x54: {  	_ =	shalt  }
0x55: {  	_ =	shalt  }
0x56: {  	_ =	shalt  }
0x57: {  	_ =	shalt  }
0x58: {  	_ =	shalt  }
0x59: {  	_ =	shalt  }
0x5a: {  	_ =	shalt  }
0x5b: {  	_ =	shalt  }
0x5c: {  	_ =	shalt  }
0x5d: {  	_ =	shalt  }
0x5e: {  	_ =	shalt  }
0x5f: {  	_ =	shalt  }
0x60: {  	_ =	shalt  }
0x61: {  	_ =	shalt  }
0x62: {  	_ =	shalt  }
0x63: {  	_ =	shalt  }
0x64: {  	_ =	shalt  }
0x65: {  	_ =	shalt  }
0x66: {  	_ =	shalt  }
0x67: {  	_ =	shalt  }
0x68: {  	_ =	shalt  }
0x69: {  	_ =	shalt  }
0x6a: {  	_ =	shalt  }
0x6b: {  	_ =	shalt  }
0x6c: {  	_ =	shalt  }
0x6d: {  	_ =	shalt  }
0x6e: {  	_ =	shalt  }
0x6f: {  	_ =	shalt  }
0x70: {  	_ =	shalt  }
0x71: {  	_ =	shalt  }
0x72: {  	_ =	shalt  }
0x73: {  	_ =	shalt  }
0x74: {  	_ =	shalt  }
0x75: {  	_ =	shalt  }
0x76: {  	_ =	shalt  }
0x77: {  	_ =	shalt  }
0x78: {  	_ =	shalt  }
0x79: {  	_ =	shalt  }
0x7a: {  	_ =	shalt  }
0x7b: {  	_ =	shalt  }
0x7c: {  	_ =	shalt  }
0x7d: {  	_ =	shalt  }
0x7e: {  	_ =	shalt  }
0x7f: {  	_ =	shalt  }
0x80: {  	_ =	shalt  }
0x81: {  	_ =	shalt  }
0x82: {  	_ =	shalt  }
0x83: {  	_ =	shalt  }
0x84: {  	_ =	shalt  }
0x85: {  	_ =	shalt  }
0x86: {  	_ =	shalt  }
0x87: {  	_ =	shalt  }
.Lfunc_end0:
.L_simem_size_0:
called_computation.2_lowered:
.L_overlay_start_0:
0x88: {  	s2 =	sld [smem:$0x3FD9]  }
0x89: {  	s3 =	sld [smem:$0x3FFE];
	_ =	sdelay $0x1  }
0x8a: {  	s1 =	srdreg.scid  }
0x8b: {  	s0 =	sand.u32 $0x1, s1  }
0x8c: {  	s17 =	sshll.u32 s0, $0xA;
	s2 =	sadd.s32 s3, s2  }
0x8d: {  	s2 =	sadd.s32 s2, s17  }
0x8e: {  	[smem:$0x3FC2] =	sst s2  }
0x8f: {  	_ = 	snop  }
0x90: {  	s2 =	sld [smem:$0x3FD0];
	(tm) =	ssettm $0x1  }
0x91: {  	s18 =	sld [smem:$0x3FFB];
	_ =	sdelay $0x3  }
0x92: {  	_ =	strace s18  }
0x93: {  	s3 =	sld [smem:$0x3FFC];
	_ =	sdelay $0x3  }
0x94: {  	_ =	strace s3  }
0x95: {  	s3 =	sld [smem:$0x3FFD];
	_ =	sdelay $0x3  }
0x96: {  	_ =	strace s3  }
0x97: {  	_ =	strace $0x8FFFFFFF  }
0x98: {  	s19 =	sld [smem:$0x3FDB];
	_ =	sdelay $0x1  }
0x99: {  	s4 =	simm.s32 $_scs_section_size  }
0x9a: {  	s5 =	simm.s32 $_size__tile_overlayer_lowered;
	s6 =	simm.s32 $_tile_overlayer_lowered  }
0x9b: {  	s22 =	simm.s32 $0x1BFF;
	s21 =	sshll.u32 s6, $0x1;
	s3 =	sadd.s32 s4, s19  }
0x9c: {  	s7 =	simm.s32 $0x0;
	s20 =	sshll.u32 s5, $0x1;
	s5 =	sadd.s32 s21, s3  }
0x9d: {  	[timem:s7], [sflag:s22] =	dma.local [hbm:s5], s20  }
0x9e: {  	_ =	swait.ge [sflag:s22], s20  }
0x9f: {  	s4 =	ssub.s32 $0x0, s20;
	[sflag:s22] =	ssyncset.done $0x0  }
0xa0: {  	[sflag:s22] =	ssyncadd.s32 s4;
	_ =	sdelay $0x1  }
0xa1: {  	s23 =	simm.s32 $0x1B8B  }
0xa2: {  	_ =	swait.ge [sflag:s23], $0x1  }
0xa3: {  	[sflag:s23] =	ssyncset.done $0x0  }
0xa4: {  	s25 =	simm.s32 $0x1B8E;
	s24 =	sld [smem:$0x3FFE];
	[sflag:s23] =	ssyncadd.s32 $0xFFFFFFFF  }
0xa5: {  	s26 =	simm.s32 $execute0_lowered;
	[smem:$0x3FD2] =	sst s25  }
0xa6: {  	s5 =	sshll.u32 s26, $0x1;
	_ =	strace $0x8000004C;
	[dreg:$0x1] =	wrdreg $0xFFFFFFFF  }
0xa7: {  	s28 =	simm.s32 $_size_execute0_lowered;
	s3 =	sadd.s32 s3, s5;
	[dreg:$0x0] =	wrdreg $0x0  }
0xa8: {  	s5 =	sshll.u32 s28, $0x1;
	[dreg:$0x2] =	wrdreg s3  }
0xa9: {  	[dreg:$0x3] =	wrdreg s5  }
0xaa: {  	[dreg:$0x4] =	wrdreg $0xC0  }
0xab: {  	_ =	task [dreg:s7], $0x5FFFF  }
0xac: {  	[dreg:$0x1] =	wrdreg $0xFFFFFFFF  }
0xad: {  	[dreg:$0x0] =	wrdreg $0x60  }
0xae: {  	[dreg:$0x2] =	wrdreg s2  }
0xaf: {  	[dreg:$0x3] =	wrdreg s24  }
0xb0: {  	[dreg:$0x4] =	wrdreg $0x90000  }
0xb1: {  	[dreg:$0x5] =	wrdreg $0x9  }
0xb2: {  	_ =	task.clear_ibuf [dreg:s7], $0x6FFFF;
	_ =	strace $0x9000004C  }
0xb3: {  	s29 =	simm.s32 $0x9;
	_ =	strace $0x8000004E  }
0xb4: {  	_ =	swait.ge [sflag:s29], $0x1  }
0xb5: {  	[sflag:s29] =	ssyncadd.s32 $0xFFFFFFFF  }
0xb6: {  	_ =	strace $0x9000004E  }
0xb7: {  	_ =	sfence  }
0xb8: {  	s30 =	sld [smem:$0x0];
	_ =	sdelay $0x2  }
0xb9: {  	s31 =	sshll.u32 s1, $0xD;
	s1 =	sshrl.u32 s1, $0x2  }
0xba: {  	s3 =	sand.u32 $0x4000, s31;
	s1 =	sadd.s32 s1, s30  }
0xbb: {  	s0 =	sor.u32 s3, s0;
	s1 =	sshll.u32 s1, $0x11  }
0xbc: {  	s0 =	sor.u32 s1, s0  }
0xbd: {  	s0 =	sadd.s32 $0x8F2B, s0  }
0xbe: {  	[sflag:s0] =	ssyncadd.remote.s32 $0x1  }
0xbf: {  	_ =	sfence.sel $0xFFFF  }
0xc0: {  	[dreg:$0x0] =	wrdreg $0xFFFFFFFF;
	(pc) =	sbr.abs _section_cstart, $3  }
0xc1: {  	[dreg:$0x1] =	wrdreg $0xFFFFFFFF  }
0xc2: {  	_ =	task.clear_ibuf [dreg:s7], $0x2FFFF;
	_ =	strace $0x9FFFFFFF  }
0xc3: {  	(tm) =	ssettm $0x7FFFFFFF  }
tec
execute0_lowered:
.L_overlay_start_1:
0x0: {  	(tag) =	ssettag $0x1  }
0x1: {  	s6 =	rddreg [dreg:$0x0]  }
0x2: {  	s7 =	rddreg [dreg:$0x1]  }
0x3: {  	s0 =	srdreg.scid;
	s2 =	rddreg [dreg:$0x2];
	s3 =	simm.s32 $0x0  }
0x4: {  	s24 =	simm.s32 $0x2800;
	s25 =	simm.s32 $0x80;
	s26 =	simm.s32 $0x1  }
0x5: {  	s28 =	simm.s32 $0x0;
	s5 =	sand.u32 $0x1, s0;
	s0 =	stileid.u32  }
0x6: {  	[smem:$0x7FF] =	sst s3;
	s21 =	sadd.s32 $0x84C00, s7;
	s10 =	smul.u32 $0x50000, s0  }
0x7: {  	s1 =	sshll.u32 s5, $0x4;
	_ =	strace $0x8000004D;
	s18 =	smul.u32 $0x140000, s5  }
0x8: {  	s30 =	ssub.s32 $0x2, s5;
	s17 =	smul.u32 $0x14000, s0;
	s4 =	sor.u32 s0, s1  }
0x9: {  	s11 =	sshrl.u32 s30, $0x1;
	s8 =	smul.u32 $0x500, s4;
	s4 =	sadd.s32 $0x5CC00, s7  }
0xa: {  	s10 =	sshrl.u32 s10, $0x2;
	s11 =	ssub.s32 s30, s11;
	s12 =	sadd.s32 s18, s17  }
0xb: {  	s14 =	sadd.s32 $0x4000, s17;
	s19 =	sadd.s32 $0x8000, s17;
	s20 =	sadd.s32 $0xC000, s17  }
0xc: {  	s22 =	sadd.s32 $0x10000, s17;
	s5 =	sadd.s32 s10, s2;
	s13 =	sshrl.u32 s12, $0x3  }
0xd: {  	s15 =	sadd.s32 s18, s14;
	s14 =	sadd.s32 s14, s2;
	s16 =	sadd.s32 s19, s2  }
0xe: {  	s19 =	sadd.s32 s18, s19;
	s31 =	sadd.s32 s18, s20;
	s23 =	sadd.s32 s18, s22  }
0xf: {  	s18 =	sadd.s32 s20, s2;
	s20 =	sadd.s32 s22, s2;
	s22 =	simm.s32 $0x5000  }
0x10: {  	s9 =	sadd.s32 s8, s7;
	s6 =	sadd.s32 s6, s8;
	s8 =	smax.u32 s11, $0x1  }
0x11: {  	s10 =	sadd.s32 $0x8000, s5;
	s11 =	sadd.s32 $0xC000, s5;
	s12 =	sadd.s32 $0x10000, s5  }
0x12: {  	s13 =	sadd.s32 s21, s13;
	s15 =	sshrl.u32 s15, $0x3;
	s19 =	sshrl.u32 s19, $0x3  }
0x13: {  	s23 =	sshrl.u32 s23, $0x3;
	s7 =	sadd.s32 $0x2C00, s9;
	s9 =	sadd.s32 $0x4000, s5  }
0x14: {  	s15 =	sadd.s32 s21, s15;
	s17 =	sadd.s32 s21, s19;
	s19 =	sshrl.u32 s31, $0x3  }
0x15: {  	v0 =	vimm.f32 $0.0e+00;
	s19 =	sadd.s32 s21, s19;
	s21 =	sadd.s32 s21, s23;
	s23 =	simm.s32 $0x2  }
.LBB2_1:
0x16: {  	s29 =	simm.s32 $0x0;
	s30 =	simm.s32 $0x200  }
.LBB2_2:
0x17: {  	p0 =	sne.s32 s30, $0xFE00;
	[tilespmem:s29+$0x5070] =	vst v0  }
0x18: {  	[tilespmem:s29+$0x5000] =	vst v0  }
0x19: {  	[tilespmem:s29+$0x5010] =	vst v0  }
.Ltmp0:
0x1a: {  	[tilespmem:s29+$0x5020] =	vst v0;
	(pc) =	sbr.rel @p0 .LBB2_2-.Ltmp0, $4  }
0x1b: {  	[tilespmem:s29+$0x5030] =	vst v0  }
0x1c: {  	[tilespmem:s29+$0x5040] =	vst v0  }
0x1d: {  	[tilespmem:s29+$0x5050] =	vst v0  }
0x1e: {  	[tilespmem:s29+$0x5060] =	vst v0;
	s29 =	sshra.s32 s30, $0x2;
	s30 =	sadd.s32 $0x200, s30  }
0x1f: {  	[tilespmem:s29+$0x5070] =	vst v0  }
0x20: {  	[tilespmem:s29+$0x5000] =	vst v0  }
0x21: {  	[tilespmem:s29+$0x5010] =	vst v0  }
0x22: {  	[tilespmem:s29+$0x5020] =	vst v0  }
0x23: {  	[tilespmem:s29+$0x5030] =	vst v0  }
0x24: {  	[tilespmem:s29+$0x5040] =	vst v0  }
0x25: {  	[tilespmem:s29+$0x5050] =	vst v0  }
0x26: {  	[tilespmem:s29+$0x5060] =	vst v0  }
0x27: {  	[spmem:s5] =	stream.linear.scatter [tilespmem:s22], [sflag:$0x2], $0x4000, $0x38;
	[tilespmem:$0x1D000] =	vst v63  }
0x28: {  	_ =	swait.ge [sflag:s23], $0x4000  }
0x29: {  	[sflag:s23] =	ssyncset.done $0x0  }
0x2a: {  	[sflag:s23] =	ssyncadd.s32 $0xFFFFC000  }
0x2b: {  	[spmem:s9] =	stream.linear.scatter [tilespmem:s22], [sflag:$0x2], $0x4000, $0x38;
	[tilespmem:$0x1D000] =	vst v63  }
0x2c: {  	_ =	swait.ge [sflag:s23], $0x4000  }
0x2d: {  	[sflag:s23] =	ssyncset.done $0x0  }
0x2e: {  	[sflag:s23] =	ssyncadd.s32 $0xFFFFC000  }
0x2f: {  	[spmem:s10] =	stream.linear.scatter [tilespmem:s22], [sflag:$0x2], $0x4000, $0x38;
	[tilespmem:$0x1D000] =	vst v63  }
0x30: {  	_ =	swait.ge [sflag:s23], $0x4000  }
0x31: {  	[sflag:s23] =	ssyncset.done $0x0  }
0x32: {  	[sflag:s23] =	ssyncadd.s32 $0xFFFFC000  }
0x33: {  	[spmem:s11] =	stream.linear.scatter [tilespmem:s22], [sflag:$0x2], $0x4000, $0x38;
	[tilespmem:$0x1D000] =	vst v63  }
0x34: {  	_ =	swait.ge [sflag:s23], $0x4000  }
0x35: {  	[sflag:s23] =	ssyncset.done $0x0  }
0x36: {  	[sflag:s23] =	ssyncadd.s32 $0xFFFFC000  }
0x37: {  	[spmem:s12] =	stream.linear.scatter [tilespmem:s22], [sflag:$0x2], $0x4000, $0x38;
	[tilespmem:$0x1D000] =	vst v63  }
0x38: {  	_ =	swait.ge [sflag:s23], $0x4000  }
0x39: {  	[sflag:s23] =	ssyncset.done $0x0  }
0x3a: {  	[sflag:s23] =	ssyncadd.s32 $0xFFFFC000  }
0x3b: {  	s29 =	simm.s32 $0x0;
	[bflag:$0x0] =	sbarrier.arrive $0xFFFF  }
0x3c: {  	[tilespmem:s29], [sflag:$0x2] =	stream.linear.gather [hbm4b:s6+s29], $0x2780, $0x38;
	[tilespmem:$0x1D000] =	vst v63  }
0x3d: {  	_ =	swait.ge [sflag:s23], $0x2780  }
0x3e: {  	[sflag:s23] =	ssyncset.done $0x0  }
0x3f: {  	[sflag:s23] =	ssyncadd.s32 $0xFFFFD880  }
0x40: {  	[tilespmem:s24], [sflag:$0x2] =	stream.linear.gather [hbm4b:s7+s29], $0x2780, $0x38;
	[tilespmem:$0x1D000] =	vst v63  }
0x41: {  	_ =	swait.ge [sflag:s23], $0x2780  }
0x42: {  	[sflag:s23] =	ssyncset.done $0x0  }
0x43: {  	s29 =	simm.s32 $0x0;
	[sflag:s23] =	ssyncadd.s32 $0xFFFFD880  }
0x44: {  	[tilespmem:s22], [sflag:$0x1] =	stream.indirect.gather [hbm4b:s4+s25], $0x80, s29, s25, $0xb8;
	[tilespmem:$0x1D000] =	vst v63  }
0x45: {  	_ =	swait.ge [sflag:s26], $0x4000  }
0x46: {  	[sflag:s26] =	ssyncset.done $0x0  }
0x47: {  	s29 =	simm.s32 $0x2800;
	[sflag:s26] =	ssyncadd.s32 $0xFFFFC000  }
0x48: {  	[spmem:s2] =	stream.indirect.scatter.add.f32 [tilespmem:s22], [sflag:$0x2], $0x80, s29, s25, $0xb8;
	[tilespmem:$0x1D000] =	vst v63  }
0x49: {  	_ =	swait.ge [sflag:s23], $0x4000  }
0x4a: {  	s30 =	simm.s32 $0x400;
	s29 =	simm.s32 $0x200;
	[sflag:s23] =	ssyncset.done $0x0  }
.LBB2_4:
0x4b: {  	s31 =	sshra.s32 s29, $0x2  }
0x4c: {  	[sflag:s23] =	ssyncadd.s32 $0xFFFFC000;
	s29 =	smov.u32 s30;
	s1 =	sadd.s32 $0x200, s30  }
0x4d: {  	[tilespmem:s22], [sflag:$0x1] =	stream.indirect.gather [hbm4b:s4+s25], $0x80, s31, s25, $0xb8;
	[tilespmem:$0x1D000] =	vst v63  }
0x4e: {  	p0 =	sne.s32 s30, $0x9C00;
	_ =	swait.ge [sflag:s26], $0x4000  }
.Ltmp1:
0x4f: {  	[sflag:s26] =	ssyncset.done $0x0;
	(pc) =	sbr.rel @p0 .LBB2_4-.Ltmp1, $4  }
0x50: {  	s30 =	sadd.s32 $0x2800, s31;
	[sflag:s26] =	ssyncadd.s32 $0xFFFFC000  }
0x51: {  	[spmem:s2] =	stream.indirect.scatter.add.f32 [tilespmem:s22], [sflag:$0x2], $0x80, s30, s25, $0xb8;
	[tilespmem:$0x1D000] =	vst v63  }
0x52: {  	_ =	swait.ge [sflag:s23], $0x4000  }
0x53: {  	s30 =	smov.u32 s1;
	[sflag:s23] =	ssyncset.done $0x0  }
0x54: {  	s1 =	sshra.s32 s29, $0x2;
	[sflag:s23] =	ssyncadd.s32 $0xFFFFC000  }
0x55: {  	[tilespmem:s22], [sflag:$0x1] =	stream.indirect.gather [hbm4b:s4+s25], $0x80, s1, s25, $0xb8;
	[tilespmem:$0x1D000] =	vst v63  }
0x56: {  	_ =	swait.ge [sflag:s26], $0x4000  }
0x57: {  	[sflag:s26] =	ssyncset.done $0x0  }
0x58: {  	s1 =	sadd.s32 $0x2800, s1;
	[sflag:s26] =	ssyncadd.s32 $0xFFFFC000  }
0x59: {  	[spmem:s2] =	stream.indirect.scatter.add.f32 [tilespmem:s22], [sflag:$0x2], $0x80, s1, s25, $0xb8;
	[tilespmem:$0x1D000] =	vst v63  }
0x5a: {  	_ =	swait.ge [sflag:s23], $0x4000  }
0x5b: {  	[sflag:s23] =	ssyncset.done $0x0  }
0x5c: {  	[sflag:s23] =	ssyncadd.s32 $0xFFFFC000  }
0x5d: {  	[bflag:$0x0] =	sbarrier.arrive $0xFFFF  }
0x5e: {  	[tilespmem:s22], [sflag:$0x2] =	stream.linear.gather [spmem:s5], $0x4000, $0x38;
	[tilespmem:$0x1D000] =	vst v63  }
0x5f: {  	_ =	swait.ge [sflag:s23], $0x4000  }
0x60: {  	[sflag:s23] =	ssyncset.done $0x0  }
0x61: {  	[sflag:s23] =	ssyncadd.s32 $0xFFFFC000  }
0x62: {  	[hbm4b:s13+s3] =	stream.linear.scatter [tilespmem:s22], [sflag:$0x2], $0x4000, $0x38;
	[tilespmem:$0x1D000] =	vst v63  }
0x63: {  	_ =	swait.ge [sflag:s23], $0x4000  }
0x64: {  	[sflag:s23] =	ssyncset.done $0x0  }
0x65: {  	[sflag:s23] =	ssyncadd.s32 $0xFFFFC000  }
0x66: {  	[tilespmem:s22], [sflag:$0x2] =	stream.linear.gather [spmem:s14], $0x4000, $0x38;
	[tilespmem:$0x1D000] =	vst v63  }
0x67: {  	_ =	swait.ge [sflag:s23], $0x4000  }
0x68: {  	[sflag:s23] =	ssyncset.done $0x0  }
0x69: {  	[sflag:s23] =	ssyncadd.s32 $0xFFFFC000  }
0x6a: {  	[hbm4b:s15+s3] =	stream.linear.scatter [tilespmem:s22], [sflag:$0x2], $0x4000, $0x38;
	[tilespmem:$0x1D000] =	vst v63  }
0x6b: {  	_ =	swait.ge [sflag:s23], $0x4000  }
0x6c: {  	[sflag:s23] =	ssyncset.done $0x0  }
0x6d: {  	[sflag:s23] =	ssyncadd.s32 $0xFFFFC000  }
0x6e: {  	[tilespmem:s22], [sflag:$0x2] =	stream.linear.gather [spmem:s16], $0x4000, $0x38;
	[tilespmem:$0x1D000] =	vst v63  }
0x6f: {  	_ =	swait.ge [sflag:s23], $0x4000  }
0x70: {  	[sflag:s23] =	ssyncset.done $0x0  }
0x71: {  	[sflag:s23] =	ssyncadd.s32 $0xFFFFC000  }
0x72: {  	[hbm4b:s17+s3] =	stream.linear.scatter [tilespmem:s22], [sflag:$0x2], $0x4000, $0x38;
	[tilespmem:$0x1D000] =	vst v63  }
0x73: {  	_ =	swait.ge [sflag:s23], $0x4000  }
0x74: {  	[sflag:s23] =	ssyncset.done $0x0  }
0x75: {  	[sflag:s23] =	ssyncadd.s32 $0xFFFFC000  }
0x76: {  	[tilespmem:s22], [sflag:$0x2] =	stream.linear.gather [spmem:s18], $0x4000, $0x38;
	[tilespmem:$0x1D000] =	vst v63  }
0x77: {  	_ =	swait.ge [sflag:s23], $0x4000  }
0x78: {  	[sflag:s23] =	ssyncset.done $0x0  }
0x79: {  	[sflag:s23] =	ssyncadd.s32 $0xFFFFC000  }
0x7a: {  	[hbm4b:s19+s3] =	stream.linear.scatter [tilespmem:s22], [sflag:$0x2], $0x4000, $0x38;
	[tilespmem:$0x1D000] =	vst v63  }
0x7b: {  	_ =	swait.ge [sflag:s23], $0x4000  }
0x7c: {  	[sflag:s23] =	ssyncset.done $0x0  }
0x7d: {  	[sflag:s23] =	ssyncadd.s32 $0xFFFFC000  }
0x7e: {  	[tilespmem:s22], [sflag:$0x2] =	stream.linear.gather [spmem:s20], $0x4000, $0x38;
	[tilespmem:$0x1D000] =	vst v63  }
0x7f: {  	s28 =	sadd.s32 $0x1, s28;
	_ =	swait.ge [sflag:s23], $0x4000  }
0x80: {  	p0 =	sne.s32 s28, s8;
	[sflag:s23] =	ssyncset.done $0x0  }
.Ltmp2:
0x81: {  	[sflag:s23] =	ssyncadd.s32 $0xFFFFC000;
	(pc) =	sbr.rel @p0 .LBB2_1-.Ltmp2, $4  }
0x82: {  	[hbm4b:s21+s3] =	stream.linear.scatter [tilespmem:s22], [sflag:$0x2], $0x4000, $0x38;
	[tilespmem:$0x1D000] =	vst v63  }
0x83: {  	_ =	swait.ge [sflag:s23], $0x4000  }
0x84: {  	[sflag:s23] =	ssyncset.done $0x0  }
0x85: {  	[sflag:s23] =	ssyncadd.s32 $0xFFFFC000  }
0x86: {  	_ =	sfence.sel $0x180000  }
0x87: {  	[bflag:$0x0] =	sbarrier.arrive $0xFFFF  }
0x88: {  	_ =	strace $0x9000004D  }
0x89: {  	[bflag:$0x2] =	sbarrier.arrive $0xFFFF  }
0x8a: {  	p0 =	sne.s32 s0, $0x0;
	s0 =	rddreg [dreg:$0x3]  }
0x8b: {  	s0 =	sadd.s32 @!p0 $0x100000, s0  }
0x8c: {  	[sflag:s0] =	ssyncadd.tile.s32 @!p0 $0x1;
	_ =	shalt  }
.Lfunc_end2:
_tile_overlayer_lowered:
.L_overlay_start_2:
0x8d: {  	(tag) =	ssettag $0x2  }
0x8e: {  	s0 =	rddreg [dreg:$0x0];
	s2 =	stileid.u32  }
0x8f: {  	s1 =	rddreg [dreg:$0x1];
	p0 =	sne.s32 s2, $0x0  }
0x90: {  	s3 =	rddreg [dreg:$0x2];
	[bflag:$0x3] =	sbarrier.arrive $0xFFFF;
	s2 =	simm.s32 @!p0 $0x1C02  }
0x91: {  	[timem:s3], [sflag:s2] =	dma.local @!p0 [hbm:s0], s1  }
0x92: {  	s0 =	simm.s32 @!p0 $0x2  }
0x93: {  	_ =	swait.ge @!p0 [sflag:s0], s1  }
0x94: {  	s1 =	ssub.s32 @!p0 $0x0, s1;
	[sflag:s0] =	ssyncset.done @!p0 $0x0  }
0x95: {  	[sflag:s0] =	ssyncadd.s32 @!p0 s1  }
0x96: {  	[bflag:$0x3] =	sbarrier.arrive $0xFFFF  }
0x97: {  	_ =	shalt  }

// kernel: kernel.8.cloned.1.call-start
scs
__scs_entry_jumppad:
0x0: {  	(pc) =	sbr.rel $0x88, $3  }
0x1: {  	(tag) =	ssettag $0x0;
	lr =	simm.s32 $0x1  }
0x2: {  	[smem:$0x3F9B] =	sst lr;
	_ =	strace $0xD0000000  }
0x3: {  	_ = 	snop  }
0x4: {  	_ = 	snop  }
0x5: {  	_ = 	snop  }
0x6: {  	_ = 	snop  }
0x7: {  	_ = 	snop  }
__scs_overlays_trampoline_lowered:
0x8: {  	[smem:$0x3FAA] =	sst s0  }
0x9: {  	[smem:$0x3FAB] =	sst s1  }
0xa: {  	[smem:$0x3FAC] =	sst s2  }
0xb: {  	[smem:$0x3FAD] =	sst s3  }
0xc: {  	[smem:$0x3FAE] =	sst s4  }
0xd: {  	[smem:$0x3FAF] =	sst s5  }
0xe: {  	[smem:$0x3FB0] =	sst s6  }
0xf: {  	[smem:$0x3FB1] =	sst s7  }
0x10: {  	[smem:$0x3FB2] =	sst s8  }
0x11: {  	[smem:$0x3FB3] =	sst s9;
	s0 =	simm.s32 @!p0 $0x0  }
0x12: {  	s1 =	sld [smem:$0x3F99];
	s0 =	simm.s32 @p0 $0x1  }
0x13: {  	[smem:$0x3FB4] =	sst s0;
	s0 =	simm.s32 @!p1 $0x0  }
0x14: {  	s2 =	sld [smem:$0x3F98];
	s0 =	simm.s32 @p1 $0x1  }
0x15: {  	[smem:$0x3FB5] =	sst s0;
	s0 =	simm.s32 @!p2 $0x0  }
0x16: {  	s3 =	sld [smem:$0x3FDB];
	s0 =	simm.s32 @p2 $0x1  }
0x17: {  	s4 =	simm.s32 $0x1BF5;
	[smem:$0x3FB7] =	sst s0  }
0x18: {  	s0 =	sld [smem:$0x3F9A];
	_ =	swait.ge [sflag:s4], $0x0  }
0x19: {  	s7 =	sld [smem:$0x3F9B]  }
0x1a: {  	s8 =	sadd.s32 $0xFFFFE003, lr  }
0x1b: {  	s9 =	sadd.s32 $0xFFFFFEF7, lr;
	s5 =	simm.s32 $0xFFFFFFFF;
	p2 =	slt.u32 s8, $0xFFFFF086  }
0x1c: {  	p1 =	slt.u32 s9, $0xF7A;
	s5 =	simm.s32 @!p2 $0x0  }
0x1d: {  	s5 =	simm.s32 @p1 $0x1;
	p0 =	seq.s32 s7, s2  }
0x1e: {  	s7 =	smul.u32 @!p0 $0xF7A, s2;
	p2 =	seq.s32 @!p0 s5, $0x0  }
0x1f: {  	s9 =	smul.u32 $0xF7A, s1;
	s8 =	simm.s32 @!p0 $0x1BF5;
	p2 =	por !p2, p0  }
0x20: {  	[sflag:s8] =	ssyncset.s32 @!p0 $0xFFFFF086;
	s6 =	sadd.s32 @!p0 s3, s7;
	s7 =	simm.s32 @!p0 $0x108  }
0x21: {  	s3 =	sadd.s32 s3, s9;
	s6 =	sadd.s32 @!p0 $0x88, s6;
	s7 =	simm.s32 @p2 $0x1082  }
0x22: {  	[simem:s7], [sflag:s8] =	dma.local @!p0 [hbm:s6], $0xF7A  }
0x23: {  	s9 =	sor.u32 $0xD0000000, s2;
	s6 =	simm.s32 $0x108;
	_ =	swait.ge @!p0 [sflag:s8], $0x0  }
0x24: {  	s3 =	sadd.s32 $0x88, s3;
	s6 =	simm.s32 @!p1 $0x1082;
	[sflag:s4] =	ssyncset.s32 $0xFFFFF086  }
0x25: {  	[simem:s6], [sflag:s4] =	dma.local [hbm:s3], $0xF7A  }
0x26: {  	[smem:$0x3F9B] =	sst s1;
	(tag) =	ssettag s2;
	_ =	strace s9  }
0x27: {  	s1 =	sld [smem:$0x3FAB]  }
0x28: {  	s2 =	sld [smem:$0x3FAC]  }
0x29: {  	s4 =	sld [smem:$0x3FAE]  }
0x2a: {  	p0 =	seq.s32 s5, $0x0;
	s5 =	sld [smem:$0x3FAF]  }
0x2b: {  	s6 =	sld [smem:$0x3FB0]  }
0x2c: {  	s7 =	sld [smem:$0x3FB1]  }
0x2d: {  	s3 =	simm.s32 $0x108;
	s8 =	sld [smem:$0x3FB2]  }
0x2e: {  	s3 =	simm.s32 @!p0 $0x1082;
	s9 =	sld [smem:$0x3FB3]  }
0x2f: {  	lr =	sadd.s32 s0, s3;
	s0 =	sld [smem:$0x3FAA]  }
0x30: {  	s3 =	sld [smem:$0x3FAD]  }
0x31: {  	[smem:$0x3FB6] =	sst s10  }
0x32: {  	s10 =	sld [smem:$0x3FB4];
	_ =	sdelay $0x3  }
0x33: {  	p0 =	seq.s32 s10, $0x1;
	s10 =	sld [smem:$0x3FB6];
	_ =	sdelay $0x3  }
0x34: {  	[smem:$0x3FB6] =	sst s10  }
0x35: {  	s10 =	sld [smem:$0x3FB5];
	_ =	sdelay $0x3  }
0x36: {  	p1 =	seq.s32 s10, $0x1;
	s10 =	sld [smem:$0x3FB6];
	_ =	sdelay $0x3  }
0x37: {  	[smem:$0x3FB6] =	sst s10  }
0x38: {  	s10 =	sld [smem:$0x3FB7]  }
0x39: {  	_ = 	snop;
	(pc) =	sbr.ind lr, $3  }
0x3a: {  	_ = 	snop  }
0x3b: {  	_ = 	snop  }
0x3c: {  	p2 =	seq.s32 s10, $0x1;
	s10 =	sld [smem:$0x3FB6]  }
0x3d: {  	_ =	shalt  }
0x3e: {  	_ =	shalt  }
0x3f: {  	_ =	shalt  }
0x40: {  	_ =	shalt  }
0x41: {  	_ =	shalt  }
0x42: {  	_ =	shalt  }
0x43: {  	_ =	shalt  }
0x44: {  	_ =	shalt  }
0x45: {  	_ =	shalt  }
0x46: {  	_ =	shalt  }
0x47: {  	_ =	shalt  }
0x48: {  	_ =	shalt  }
0x49: {  	_ =	shalt  }
0x4a: {  	_ =	shalt  }
0x4b: {  	_ =	shalt  }
0x4c: {  	_ =	shalt  }
0x4d: {  	_ =	shalt  }
0x4e: {  	_ =	shalt  }
0x4f: {  	_ =	shalt  }
0x50: {  	_ =	shalt  }
0x51: {  	_ =	shalt  }
0x52: {  	_ =	shalt  }
0x53: {  	_ =	shalt  }
0x54: {  	_ =	shalt  }
0x55: {  	_ =	shalt  }
0x56: {  	_ =	shalt  }
0x57: {  	_ =	shalt  }
0x58: {  	_ =	shalt  }
0x59: {  	_ =	shalt  }
0x5a: {  	_ =	shalt  }
0x5b: {  	_ =	shalt  }
0x5c: {  	_ =	shalt  }
0x5d: {  	_ =	shalt  }
0x5e: {  	_ =	shalt  }
0x5f: {  	_ =	shalt  }
0x60: {  	_ =	shalt  }
0x61: {  	_ =	shalt  }
0x62: {  	_ =	shalt  }
0x63: {  	_ =	shalt  }
0x64: {  	_ =	shalt  }
0x65: {  	_ =	shalt  }
0x66: {  	_ =	shalt  }
0x67: {  	_ =	shalt  }
0x68: {  	_ =	shalt  }
0x69: {  	_ =	shalt  }
0x6a: {  	_ =	shalt  }
0x6b: {  	_ =	shalt  }
0x6c: {  	_ =	shalt  }
0x6d: {  	_ =	shalt  }
0x6e: {  	_ =	shalt  }
0x6f: {  	_ =	shalt  }
0x70: {  	_ =	shalt  }
0x71: {  	_ =	shalt  }
0x72: {  	_ =	shalt  }
0x73: {  	_ =	shalt  }
0x74: {  	_ =	shalt  }
0x75: {  	_ =	shalt  }
0x76: {  	_ =	shalt  }
0x77: {  	_ =	shalt  }
0x78: {  	_ =	shalt  }
0x79: {  	_ =	shalt  }
0x7a: {  	_ =	shalt  }
0x7b: {  	_ =	shalt  }
0x7c: {  	_ =	shalt  }
0x7d: {  	_ =	shalt  }
0x7e: {  	_ =	shalt  }
0x7f: {  	_ =	shalt  }
0x80: {  	_ =	shalt  }
0x81: {  	_ =	shalt  }
0x82: {  	_ =	shalt  }
0x83: {  	_ =	shalt  }
0x84: {  	_ =	shalt  }
0x85: {  	_ =	shalt  }
0x86: {  	_ =	shalt  }
0x87: {  	_ =	shalt  }
.Lfunc_end0:
.L_simem_size_0:
called_computation_lowered:
.L_overlay_start_0:
0x88: {  	s2 =	sld [smem:$0x3FD9]  }
0x89: {  	s3 =	sld [smem:$0x3FFE];
	_ =	sdelay $0x1  }
0x8a: {  	s1 =	srdreg.scid  }
0x8b: {  	s0 =	sand.u32 $0x1, s1  }
0x8c: {  	s16 =	sshll.u32 s0, $0xA;
	s2 =	sadd.s32 s3, s2  }
0x8d: {  	s2 =	sadd.s32 s2, s16  }
0x8e: {  	[smem:$0x3FC2] =	sst s2  }
0x8f: {  	_ = 	snop  }
0x90: {  	(tm) =	ssettm $0x1  }
0x91: {  	s17 =	sld [smem:$0x3FFB];
	_ =	sdelay $0x3  }
0x92: {  	_ =	strace s17  }
0x93: {  	s2 =	sld [smem:$0x3FFC];
	_ =	sdelay $0x3  }
0x94: {  	_ =	strace s2  }
0x95: {  	s2 =	sld [smem:$0x3FFD];
	_ =	sdelay $0x3  }
0x96: {  	_ =	strace s2  }
0x97: {  	_ =	strace $0x8FFFFFFF  }
0x98: {  	s18 =	sld [smem:$0x3FDB];
	_ =	sdelay $0x1  }
0x99: {  	s19 =	simm.s32 $_scs_section_size  }
0x9a: {  	s4 =	simm.s32 $_size__tile_overlayer_lowered;
	s5 =	simm.s32 $_tile_overlayer_lowered  }
0x9b: {  	s22 =	simm.s32 $0x1BFF;
	s21 =	sshll.u32 s5, $0x1;
	s2 =	sadd.s32 s19, s18  }
0x9c: {  	s6 =	simm.s32 $0x0;
	s20 =	sshll.u32 s4, $0x1;
	s4 =	sadd.s32 s21, s2  }
0x9d: {  	[timem:s6], [sflag:s22] =	dma.local [hbm:s4], s20  }
0x9e: {  	_ =	swait.ge [sflag:s22], s20  }
0x9f: {  	s3 =	ssub.s32 $0x0, s20;
	[sflag:s22] =	ssyncset.done $0x0  }
0xa0: {  	[sflag:s22] =	ssyncadd.s32 s3;
	_ =	sdelay $0x1  }
0xa1: {  	s23 =	simm.s32 $0x1B8B  }
0xa2: {  	_ =	swait.ge [sflag:s23], $0x1  }
0xa3: {  	[sflag:s23] =	ssyncset.done $0x0  }
0xa4: {  	s25 =	simm.s32 $0x1B8E;
	s24 =	sld [smem:$0x3FFE];
	[sflag:s23] =	ssyncadd.s32 $0xFFFFFFFF  }
0xa5: {  	s26 =	simm.s32 $execute0_lowered;
	[smem:$0x3FD2] =	sst s25  }
0xa6: {  	s4 =	sshll.u32 s26, $0x1;
	_ =	strace $0x80000046;
	[dreg:$0x1] =	wrdreg $0xFFFFFFFF  }
0xa7: {  	s28 =	simm.s32 $_size_execute0_lowered;
	s2 =	sadd.s32 s2, s4;
	[dreg:$0x0] =	wrdreg $0x0  }
0xa8: {  	s4 =	sshll.u32 s28, $0x1;
	[dreg:$0x2] =	wrdreg s2  }
0xa9: {  	[dreg:$0x3] =	wrdreg s4  }
0xaa: {  	[dreg:$0x4] =	wrdreg $0xC0  }
0xab: {  	_ =	task [dreg:s6], $0x5FFFF  }
0xac: {  	[dreg:$0x1] =	wrdreg $0xFFFFFFFF  }
0xad: {  	[dreg:$0x0] =	wrdreg $0x60  }
0xae: {  	[dreg:$0x2] =	wrdreg s24  }
0xaf: {  	[dreg:$0x3] =	wrdreg $0x68000  }
0xb0: {  	[dreg:$0x4] =	wrdreg $0x9  }
0xb1: {  	_ =	task.clear_ibuf [dreg:s6], $0x5FFFF;
	_ =	strace $0x90000046  }
0xb2: {  	s29 =	simm.s32 $0x9;
	_ =	strace $0x80000048  }
0xb3: {  	_ =	swait.ge [sflag:s29], $0x1  }
0xb4: {  	[sflag:s29] =	ssyncadd.s32 $0xFFFFFFFF  }
0xb5: {  	_ =	strace $0x90000048  }
0xb6: {  	_ =	sfence  }
0xb7: {  	s30 =	sld [smem:$0x0];
	_ =	sdelay $0x2  }
0xb8: {  	s31 =	sshll.u32 s1, $0xD;
	s1 =	sshrl.u32 s1, $0x2  }
0xb9: {  	s3 =	sand.u32 $0x4000, s31;
	s1 =	sadd.s32 s1, s30  }
0xba: {  	s0 =	sor.u32 s3, s0;
	s1 =	sshll.u32 s1, $0x11  }
0xbb: {  	s0 =	sor.u32 s1, s0  }
0xbc: {  	s0 =	sadd.s32 $0x8F2B, s0  }
0xbd: {  	[sflag:s0] =	ssyncadd.remote.s32 $0x1  }
0xbe: {  	_ =	sfence.sel $0xFFFF  }
0xbf: {  	[dreg:$0x0] =	wrdreg $0xFFFFFFFF;
	(pc) =	sbr.abs _section_cstart, $3  }
0xc0: {  	[dreg:$0x1] =	wrdreg $0xFFFFFFFF  }
0xc1: {  	_ =	task.clear_ibuf [dreg:s6], $0x2FFFF;
	_ =	strace $0x9FFFFFFF  }
0xc2: {  	(tm) =	ssettm $0x7FFFFFFF  }
0xc3: {  	_ =	shalt  }
tec
execute0_lowered:
.L_overlay_start_1:
0x0: {  	(tag) =	ssettag $0x1  }
0x1: {  	s0 =	srdreg.scid;
	s4 =	rddreg [dreg:$0x0]  }
0x2: {  	s2 =	rddreg [dreg:$0x1];
	s1 =	stileid.u32  }
0x3: {  	s3 =	simm.s32 $0x0;
	s22 =	simm.s32 $0x80;
	s23 =	simm.s32 $0x0  }
0x4: {  	s5 =	sand.u32 $0x1, s0;
	s0 =	rddreg [dreg:$0x2];
	s7 =	smul.u32 $0x50000, s1  }
0x5: {  	[smem:$0x7FF] =	sst s3;
	s19 =	sadd.s32 $0xCC00, s4;
	s15 =	smul.u32 $0x14000, s1  }
0x6: {  	s6 =	sshll.u32 s5, $0x4;
	_ =	strace $0x80000047;
	s29 =	ssub.s32 $0x2, s5  }
0x7: {  	s16 =	smul.u32 $0x140000, s5;
	s6 =	sor.u32 s1, s6;
	s8 =	sshrl.u32 s29, $0x1  }
0x8: {  	s7 =	sshrl.u32 s7, $0x2;
	s12 =	sadd.s32 $0x4000, s15;
	s17 =	sadd.s32 $0x8000, s15  }
0x9: {  	s18 =	sadd.s32 $0xC000, s15;
	s21 =	sadd.s32 $0x10000, s15;
	s6 =	smul.u32 $0x500, s6  }
0xa: {  	s8 =	ssub.s32 s29, s8;
	s10 =	sadd.s32 s16, s15;
	s13 =	sadd.s32 s16, s12  }
0xb: {  	s12 =	sadd.s32 s12, s2;
	s14 =	sadd.s32 s17, s2;
	s17 =	sadd.s32 s16, s17  }
0xc: {  	s20 =	sadd.s32 s16, s18;
	s31 =	sadd.s32 s16, s21;
	s16 =	sadd.s32 s18, s2  }
0xd: {  	s18 =	sadd.s32 s21, s2;
	s21 =	simm.s32 $0x1;
	s11 =	sshrl.u32 s10, $0x3  }
0xe: {  	s13 =	sshrl.u32 s13, $0x3;
	s17 =	sshrl.u32 s17, $0x3;
	s30 =	sshrl.u32 s20, $0x3  }
0xf: {  	s20 =	sshrl.u32 s31, $0x3;
	s6 =	sadd.s32 s6, s4;
	s4 =	sadd.s32 s7, s2  }
0x10: {  	s11 =	sadd.s32 s19, s11;
	s13 =	sadd.s32 s19, s13;
	s15 =	sadd.s32 s19, s17  }
0x11: {  	s17 =	sadd.s32 s19, s30;
	s19 =	sadd.s32 s19, s20;
	s20 =	simm.s32 $0x2800  }
0x12: {  	s5 =	sadd.s32 $0x2C00, s6;
	s6 =	smax.u32 s8, $0x1;
	s7 =	sadd.s32 $0x4000, s4  }
0x13: {  	v0 =	vimm.f32 $0.0e+00;
	v1 =	vimm.f32 $1.000000000e+00;
	s8 =	sadd.s32 $0x8000, s4;
	s9 =	sadd.s32 $0xC000, s4;
	s10 =	sadd.s32 $0x10000, s4  }
.LBB2_1:
0x14: {  	s24 =	simm.s32 $0x0;
	s25 =	simm.s32 $0x200  }
.LBB2_2:
0x15: {  	p0 =	sne.s32 s25, $0xFE00;
	[tilespmem:s24+$0x2870] =	vst v0  }
0x16: {  	[tilespmem:s24+$0x2800] =	vst v0  }
0x17: {  	[tilespmem:s24+$0x2810] =	vst v0  }
.Ltmp0:
0x18: {  	[tilespmem:s24+$0x2820] =	vst v0;
	(pc) =	sbr.rel @p0 .LBB2_2-.Ltmp0, $4  }
0x19: {  	[tilespmem:s24+$0x2830] =	vst v0  }
0x1a: {  	[tilespmem:s24+$0x2840] =	vst v0  }
0x1b: {  	[tilespmem:s24+$0x2850] =	vst v0  }
0x1c: {  	[tilespmem:s24+$0x2860] =	vst v0;
	s24 =	sshra.s32 s25, $0x2;
	s25 =	sadd.s32 $0x200, s25  }
0x1d: {  	[tilespmem:s24+$0x2870] =	vst v0  }
0x1e: {  	[tilespmem:s24+$0x2800] =	vst v0  }
0x1f: {  	[tilespmem:s24+$0x2810] =	vst v0  }
0x20: {  	[tilespmem:s24+$0x2820] =	vst v0  }
0x21: {  	[tilespmem:s24+$0x2830] =	vst v0  }
0x22: {  	[tilespmem:s24+$0x2840] =	vst v0  }
0x23: {  	[tilespmem:s24+$0x2850] =	vst v0  }
0x24: {  	[tilespmem:s24+$0x2860] =	vst v0  }
0x25: {  	[spmem:s4] =	stream.linear.scatter [tilespmem:s20], [sflag:$0x1], $0x4000, $0x38;
	[tilespmem:$0x1A800] =	vst v63  }
0x26: {  	_ =	swait.ge [sflag:s21], $0x4000  }
0x27: {  	[sflag:s21] =	ssyncset.done $0x0  }
0x28: {  	[sflag:s21] =	ssyncadd.s32 $0xFFFFC000  }
0x29: {  	[spmem:s7] =	stream.linear.scatter [tilespmem:s20], [sflag:$0x1], $0x4000, $0x38;
	[tilespmem:$0x1A800] =	vst v63  }
0x2a: {  	_ =	swait.ge [sflag:s21], $0x4000  }
0x2b: {  	[sflag:s21] =	ssyncset.done $0x0  }
0x2c: {  	[sflag:s21] =	ssyncadd.s32 $0xFFFFC000  }
0x2d: {  	[spmem:s8] =	stream.linear.scatter [tilespmem:s20], [sflag:$0x1], $0x4000, $0x38;
	[tilespmem:$0x1A800] =	vst v63  }
0x2e: {  	_ =	swait.ge [sflag:s21], $0x4000  }
0x2f: {  	[sflag:s21] =	ssyncset.done $0x0  }
0x30: {  	[sflag:s21] =	ssyncadd.s32 $0xFFFFC000  }
0x31: {  	[spmem:s9] =	stream.linear.scatter [tilespmem:s20], [sflag:$0x1], $0x4000, $0x38;
	[tilespmem:$0x1A800] =	vst v63  }
0x32: {  	_ =	swait.ge [sflag:s21], $0x4000  }
0x33: {  	[sflag:s21] =	ssyncset.done $0x0  }
0x34: {  	[sflag:s21] =	ssyncadd.s32 $0xFFFFC000  }
0x35: {  	[spmem:s10] =	stream.linear.scatter [tilespmem:s20], [sflag:$0x1], $0x4000, $0x38;
	[tilespmem:$0x1A800] =	vst v63  }
0x36: {  	_ =	swait.ge [sflag:s21], $0x4000  }
0x37: {  	[sflag:s21] =	ssyncset.done $0x0  }
0x38: {  	[sflag:s21] =	ssyncadd.s32 $0xFFFFC000  }
0x39: {  	s24 =	simm.s32 $0x0;
	s25 =	simm.s32 $0x200;
	[bflag:$0x0] =	sbarrier.arrive $0xFFFF  }
.LBB2_4:
0x3a: {  	p0 =	sne.s32 s25, $0xFE00;
	[tilespmem:s24+$0x2870] =	vst v1  }
0x3b: {  	[tilespmem:s24+$0x2800] =	vst v1  }
0x3c: {  	[tilespmem:s24+$0x2810] =	vst v1  }
.Ltmp1:
0x3d: {  	[tilespmem:s24+$0x2820] =	vst v1;
	(pc) =	sbr.rel @p0 .LBB2_4-.Ltmp1, $4  }
0x3e: {  	[tilespmem:s24+$0x2830] =	vst v1  }
0x3f: {  	[tilespmem:s24+$0x2840] =	vst v1  }
0x40: {  	[tilespmem:s24+$0x2850] =	vst v1  }
0x41: {  	[tilespmem:s24+$0x2860] =	vst v1;
	s24 =	sshra.s32 s25, $0x2;
	s25 =	sadd.s32 $0x200, s25  }
0x42: {  	[tilespmem:s24+$0x2870] =	vst v1  }
0x43: {  	[tilespmem:s24+$0x2800] =	vst v1  }
0x44: {  	[tilespmem:s24+$0x2810] =	vst v1  }
0x45: {  	[tilespmem:s24+$0x2820] =	vst v1  }
0x46: {  	[tilespmem:s24+$0x2830] =	vst v1  }
0x47: {  	[tilespmem:s24+$0x2840] =	vst v1  }
0x48: {  	[tilespmem:s24+$0x2850] =	vst v1  }
0x49: {  	[tilespmem:s24+$0x2860] =	vst v1;
	s30 =	simm.s32 $0x0  }
0x4a: {  	[tilespmem:s30], [sflag:$0x1] =	stream.linear.gather [hbm4b:s5+s30], $0x2780, $0x38;
	[tilespmem:$0x1A800] =	vst v63  }
0x4b: {  	_ =	swait.ge [sflag:s21], $0x2780  }
0x4c: {  	[sflag:s21] =	ssyncset.done $0x0  }
0x4d: {  	s31 =	simm.s32 $0x0;
	[sflag:s21] =	ssyncadd.s32 $0xFFFFD880  }
0x4e: {  	[spmem:s2] =	stream.indirect.scatter.add.f32 [tilespmem:s20], [sflag:$0x1], $0x80, s31, s22, $0xb8;
	[tilespmem:$0x1A800] =	vst v63  }
0x4f: {  	_ =	swait.ge [sflag:s21], $0x4000  }
0x50: {  	s24 =	simm.s32 $0x200;
	[sflag:s21] =	ssyncset.done $0x0  }
.LBB2_6:
0x51: {  	s25 =	sshra.s32 s24, $0x2;
	[sflag:s21] =	ssyncadd.s32 $0xFFFFC000;
	p0 =	sne.s32 s24, $0x9C00  }
0x52: {  	[spmem:s2] =	stream.indirect.scatter.add.f32 [tilespmem:s20], [sflag:$0x1], $0x80, s25, s22, $0xb8;
	[tilespmem:$0x1A800] =	vst v63  }
.Ltmp2:
0x53: {  	_ = 	snop;
	(pc) =	sbr.rel @p0 .LBB2_6-.Ltmp2, $4  }
0x54: {  	_ = 	snop  }
0x55: {  	s24 =	sadd.s32 $0x200, s24  }
0x56: {  	_ =	swait.ge [sflag:s21], $0x4000  }
0x57: {  	[sflag:s21] =	ssyncset.done $0x0  }
0x58: {  	[sflag:s21] =	ssyncadd.s32 $0xFFFFC000  }
0x59: {  	[bflag:$0x0] =	sbarrier.arrive $0xFFFF  }
0x5a: {  	[tilespmem:s20], [sflag:$0x1] =	stream.linear.gather [spmem:s4], $0x4000, $0x38;
	[tilespmem:$0x1A800] =	vst v63  }
0x5b: {  	_ =	swait.ge [sflag:s21], $0x4000  }
0x5c: {  	[sflag:s21] =	ssyncset.done $0x0  }
0x5d: {  	[sflag:s21] =	ssyncadd.s32 $0xFFFFC000  }
0x5e: {  	[hbm4b:s11+s3] =	stream.linear.scatter [tilespmem:s20], [sflag:$0x1], $0x4000, $0x38;
	[tilespmem:$0x1A800] =	vst v63  }
0x5f: {  	_ =	swait.ge [sflag:s21], $0x4000  }
0x60: {  	[sflag:s21] =	ssyncset.done $0x0  }
0x61: {  	[sflag:s21] =	ssyncadd.s32 $0xFFFFC000  }
0x62: {  	[tilespmem:s20], [sflag:$0x1] =	stream.linear.gather [spmem:s12], $0x4000, $0x38;
	[tilespmem:$0x1A800] =	vst v63  }
0x63: {  	_ =	swait.ge [sflag:s21], $0x4000  }
0x64: {  	[sflag:s21] =	ssyncset.done $0x0  }
0x65: {  	[sflag:s21] =	ssyncadd.s32 $0xFFFFC000  }
0x66: {  	[hbm4b:s13+s3] =	stream.linear.scatter [tilespmem:s20], [sflag:$0x1], $0x4000, $0x38;
	[tilespmem:$0x1A800] =	vst v63  }
0x67: {  	_ =	swait.ge [sflag:s21], $0x4000  }
0x68: {  	[sflag:s21] =	ssyncset.done $0x0  }
0x69: {  	[sflag:s21] =	ssyncadd.s32 $0xFFFFC000  }
0x6a: {  	[tilespmem:s20], [sflag:$0x1] =	stream.linear.gather [spmem:s14], $0x4000, $0x38;
	[tilespmem:$0x1A800] =	vst v63  }
0x6b: {  	_ =	swait.ge [sflag:s21], $0x4000  }
0x6c: {  	[sflag:s21] =	ssyncset.done $0x0  }
0x6d: {  	[sflag:s21] =	ssyncadd.s32 $0xFFFFC000  }
0x6e: {  	[hbm4b:s15+s3] =	stream.linear.scatter [tilespmem:s20], [sflag:$0x1], $0x4000, $0x38;
	[tilespmem:$0x1A800] =	vst v63  }
0x6f: {  	_ =	swait.ge [sflag:s21], $0x4000  }
0x70: {  	[sflag:s21] =	ssyncset.done $0x0  }
0x71: {  	[sflag:s21] =	ssyncadd.s32 $0xFFFFC000  }
0x72: {  	[tilespmem:s20], [sflag:$0x1] =	stream.linear.gather [spmem:s16], $0x4000, $0x38;
	[tilespmem:$0x1A800] =	vst v63  }
0x73: {  	_ =	swait.ge [sflag:s21], $0x4000  }
0x74: {  	[sflag:s21] =	ssyncset.done $0x0  }
0x75: {  	[sflag:s21] =	ssyncadd.s32 $0xFFFFC000  }
0x76: {  	[hbm4b:s17+s3] =	stream.linear.scatter [tilespmem:s20], [sflag:$0x1], $0x4000, $0x38;
	[tilespmem:$0x1A800] =	vst v63  }
0x77: {  	_ =	swait.ge [sflag:s21], $0x4000  }
0x78: {  	[sflag:s21] =	ssyncset.done $0x0  }
0x79: {  	[sflag:s21] =	ssyncadd.s32 $0xFFFFC000  }
0x7a: {  	[tilespmem:s20], [sflag:$0x1] =	stream.linear.gather [spmem:s18], $0x4000, $0x38;
	[tilespmem:$0x1A800] =	vst v63  }
0x7b: {  	s23 =	sadd.s32 $0x1, s23;
	_ =	swait.ge [sflag:s21], $0x4000  }
0x7c: {  	p0 =	sne.s32 s23, s6;
	[sflag:s21] =	ssyncset.done $0x0  }
.Ltmp3:
0x7d: {  	[sflag:s21] =	ssyncadd.s32 $0xFFFFC000;
	(pc) =	sbr.rel @p0 .LBB2_1-.Ltmp3, $4  }
0x7e: {  	[hbm4b:s19+s3] =	stream.linear.scatter [tilespmem:s20], [sflag:$0x1], $0x4000, $0x38;
	[tilespmem:$0x1A800] =	vst v63  }
0x7f: {  	_ =	swait.ge [sflag:s21], $0x4000  }
0x80: {  	[sflag:s21] =	ssyncset.done $0x0  }
0x81: {  	[sflag:s21] =	ssyncadd.s32 $0xFFFFC000  }
0x82: {  	_ =	sfence.sel $0x180000  }
0x83: {  	[bflag:$0x0] =	sbarrier.arrive $0xFFFF  }
0x84: {  	p0 =	sne.s32 s1, $0x0;
	_ =	strace $0x90000047  }
0x85: {  	s0 =	sadd.s32 @!p0 $0x100000, s0;
	[bflag:$0x2] =	sbarrier.arrive $0xFFFF  }
0x86: {  	[sflag:s0] =	ssyncadd.tile.s32 @!p0 $0x1;
	_ =	shalt  }
.Lfunc_end2:
_tile_overlayer_lowered:
.L_overlay_start_2:
0x87: {  	(tag) =	ssettag $0x2  }
0x88: {  	s0 =	rddreg [dreg:$0x0];
	s2 =	stileid.u32  }
0x89: {  	s1 =	rddreg [dreg:$0x1];
	p0 =	sne.s32 s2, $0x0  }
0x8a: {  	s3 =	rddreg [dreg:$0x2];
	[bflag:$0x3] =	sbarrier.arrive $0xFFFF;
	s2 =	simm.s32 @!p0 $0x1C01  }
0x8b: {  	[timem:s3], [sflag:s2] =	dma.local @!p0 [hbm:s0], s1  }
0x8c: {  	s0 =	simm.s32 @!p0 $0x1  }
0x8d: {  	_ =	swait.ge @!p0 [sflag:s0], s1  }
0x8e: {  	s1 =	ssub.s32 @!p0 $0x0, s1;
	[sflag:s0] =	ssyncset.done @!p0 $0x0  }
0x8f: {  	[sflag:s0] =	ssyncadd.s32 @!p0 s1  }
0x90: {  	[bflag:$0x3] =	sbarrier.arrive $0xFFFF  }
0x91: {  	_ =	shalt  }

</sc_bundles>
